<compile_context>
chip_gen: v7x
topology: tpu7x:2x2x1
jax: 0.10.2.dev20260603
libtpu: 0.0.44.dev20260713+nightly
codegen_flags: <defaults>
</compile_context>

<pallas_src>
import functools

import jax
import jax.numpy as jnp
from jax import lax
from jax.experimental import pallas as pl
from jax.experimental.pallas import tpu as pltpu
from jax.experimental.pallas import tpu_sc as plsc

TOPK = 32
_NC, _NS = 2, 16
_NW = _NC * _NS


def _tc_kernel(x_ref, c_ref, am_ref, *, inv_sqrt_d):
    xb = x_ref[0]
    c = c_ref[...]
    logits_t = jax.lax.dot_general(
        c.astype(jnp.bfloat16), xb.astype(jnp.bfloat16),
        (((1,), (1,)), ((), ())),
        preferred_element_type=jnp.float32,
    ) * inv_sqrt_d
    m = jnp.max(logits_t, axis=0, keepdims=True)
    e = jnp.exp(logits_t - m)
    probs_t = e / jnp.sum(e, axis=0, keepdims=True)
    am_ref[...] = probs_t.T


def _merge_sorted16(av, ai, bv, bi):
    rbv = lax.rev(bv, (0,))
    rbi = lax.rev(bi, (0,))
    m = av >= rbv
    hv = jnp.where(m, av, rbv)
    hi_ = jnp.where(m, ai, rbi)
    lv = jnp.where(m, rbv, av)
    li_ = jnp.where(m, rbi, ai)
    hv, hi_ = plsc.sort_key_val(hv, hi_, descending=True)
    lv, li_ = plsc.sort_key_val(lv, li_, descending=True)
    return hv, hi_, lv, li_


def _merge_top32(a, b):
    ahv, ahi, alv, ali = a
    bhv, bhi, blv, bli = b
    rblv = lax.rev(blv, (0,))
    rbli = lax.rev(bli, (0,))
    m1 = ahv >= rblv
    t1v = jnp.where(m1, ahv, rblv)
    t1i = jnp.where(m1, ahi, rbli)
    rbhv = lax.rev(bhv, (0,))
    rbhi = lax.rev(bhi, (0,))
    m2 = alv >= rbhv
    t2v = jnp.where(m2, alv, rbhv)
    t2i = jnp.where(m2, ali, rbhi)
    m = t1v >= t2v
    uv = jnp.where(m, t1v, t2v)
    ui = jnp.where(m, t1i, t2i)
    lv = jnp.where(m, t2v, t1v)
    li_ = jnp.where(m, t2i, t1i)
    uv, ui = plsc.sort_key_val(uv, ui, descending=True)
    lv, li_ = plsc.sort_key_val(lv, li_, descending=True)
    return uv, ui, lv, li_


def _sc_topk_body(probs_hbm, sims_hbm, idx_hbm, buf, sims_v, idx_v, sem_in):
    wid = lax.axis_index("s") * _NC + lax.axis_index("c")
    n_s, n_b, kdim = probs_hbm.shape
    per_b = _NW // n_b
    rows = n_s // per_b
    b = wid // per_b
    s0 = (wid % per_b) * rows

    pltpu.async_copy(probs_hbm.at[s0, b], buf.at[0], sem_in)

    def item(i, _):
        pb = lax.rem(i, 2)
        pltpu.make_async_copy(probs_hbm.at[s0, b], buf.at[pb], sem_in).wait()

        @pl.when(i + 1 < rows)
        def _start_next():
            pltpu.async_copy(probs_hbm.at[s0 + i + 1, b],
                             buf.at[lax.rem(i + 1, 2)], sem_in)

        lists = []
        for j in range(kdim // 32):
            av = buf[pb, pl.ds(32 * j, 16)]
            bv = buf[pb, pl.ds(32 * j + 16, 16)]
            ia = lax.iota(jnp.int32, 16) + (32 * j)
            ib = lax.iota(jnp.int32, 16) + (32 * j + 16)
            av, ia = plsc.sort_key_val(av, ia, descending=True)
            bv, ib = plsc.sort_key_val(bv, ib, descending=True)
            lists.append(_merge_sorted16(av, ia, bv, ib))
        while len(lists) > 1:
            lists = [_merge_top32(a, b2)
                     for a, b2 in zip(lists[0::2], lists[1::2])]
        hv, hi_, lv, li_ = lists[0]

        ii = lax.rem(i, 16)
        sims_v[ii, pl.ds(0, 16)] = hv
        sims_v[ii, pl.ds(16, 16)] = lv
        idx_v[ii, pl.ds(0, 16)] = hi_
        idx_v[ii, pl.ds(16, 16)] = li_

        @pl.when(lax.rem(i, 16) == 15)
        def _flush():
            r0 = pl.multiple_of(b * n_s + s0 + i - 15, 16)
            pltpu.sync_copy(sims_v, sims_hbm.at[pl.ds(r0, 16)])
            pltpu.sync_copy(idx_v, idx_hbm.at[pl.ds(r0, 16)])

        return 0

    lax.fori_loop(0, rows, item, 0)


@jax.jit
def kernel(x, centroids):
    B, S, D = x.shape
    K = centroids.shape[0]
    S_blk = 512
    grid = (B, S // S_blk)
    body = functools.partial(_tc_kernel, inv_sqrt_d=1.0 / (D ** 0.5))
    amatrix_r = pl.pallas_call(
        body,
        grid=grid,
        in_specs=[
            pl.BlockSpec((1, S_blk, D), lambda b, s: (b, s, 0)),
            pl.BlockSpec((K, D), lambda b, s: (0, 0)),
        ],
        out_specs=pl.BlockSpec((S_blk, K), lambda b, s: (s, b)),
        out_shape=jax.ShapeDtypeStruct((S, B * K), jnp.float32),
    )(x, centroids)

    mesh = plsc.VectorSubcoreMesh(core_axis_name="c", subcore_axis_name="s",
                                  num_cores=_NC, num_subcores=_NS)
    sc_topk = functools.partial(
        pl.kernel, mesh=mesh,
        out_type=[jax.ShapeDtypeStruct((B * S, TOPK), jnp.float32),
                  jax.ShapeDtypeStruct((B * S, TOPK), jnp.int32)],
        scratch_types=[pltpu.VMEM((2, K), jnp.float32),
                       pltpu.VMEM((16, TOPK), jnp.float32),
                       pltpu.VMEM((16, TOPK), jnp.int32),
                       pltpu.SemaphoreType.DMA],
        compiler_params=pltpu.CompilerParams(needs_layout_passes=False),
    )(_sc_topk_body)
    sims, indices = sc_topk(amatrix_r.reshape(S, B, K))
    return (sims.reshape(B, S, TOPK), indices.reshape(B, S, TOPK),
            amatrix_r)

# --- scband reference (transcript-rebuilt; emitter-appended) ---
"""Pipeline reference for scband-spa-gmm-sampling-4982162063814 (READ-ONLY COPY).

The authoritative reference and input builder live on the scoring server;
editing this copy changes nothing except your own understanding.
"""

import jax, jax.numpy as jnp
import numpy as np

B, S, D, K, TOPK = 4, 2048, 2048, 512, 32

def setup_inputs(seed: int = 0) -> dict:
    key = jax.random.key(seed)
    k1, k2 = jax.random.split(key)
    x = jax.random.normal(k1, (B, S, D), dtype=jnp.float32)
    # learned GMM/superpixel centroids used by est_marginal_sp
    centroids = jax.random.normal(k2, (K, D), dtype=jnp.float32) / np.sqrt(D)
    return {"x": x, "centroids": centroids}

def reference(x, centroids):
    # est_marginal_sp(x): soft marginal assignment of each token/pixel to K superpixel
    # mixture components (GMM responsibility matrix), amatrix: [B, S, K]
    d = jnp.float32(x.shape[-1])
    logits = jnp.einsum('bsd,kd->bsk', x, centroids) / jnp.sqrt(d)
    amatrix = jax.nn.softmax(logits, axis=-1)
    # torch.topk(amatrix, topk, dim=-1)
    sims, indices = jax.lax.top_k(amatrix, TOPK)
    # rearrange(amatrix, 'b s k -> s (b k)')
    amatrix_r = jnp.transpose(amatrix, (1, 0, 2)).reshape(amatrix.shape[1], -1)
    # NOTE: the original torch forward hits print('not here.'); exit() immediately
    # after this rearrange, so everything past this point is dead code. The faithful
    # reachable computation is (sims, indices, amatrix_r).
    return (sims, indices, amatrix_r)

if __name__ == "__main__":
    import jax
    _d = setup_inputs()
    print(jax.jit(kernel)(*tuple(_d.values())))

</pallas_src>

<mosaic_0001>
#map = affine_map<(d0, d1) -> (0, 0, 0)>
#map1 = affine_map<(d0, d1) -> (0, 0)>
module attributes {stable_mosaic.version = 14 : i64} {
  func.func @_sc_topk_body(%arg0: i32, %arg1: i32, %arg2: memref<2048x4x512xf32, #tpu.memory_space<hbm>>, %arg3: memref<8192x32xf32, #tpu.memory_space<hbm>>, %arg4: memref<8192x32xi32, #tpu.memory_space<hbm>>, %arg5: memref<2x512xf32, #tpu.memory_space<vmem>>, %arg6: memref<16x32xf32, #tpu.memory_space<vmem>>, %arg7: memref<16x32xi32, #tpu.memory_space<vmem>>, %arg8: memref<!tpu.dma_semaphore, #tpu.memory_space<semaphore_mem>>) attributes {dimension_semantics = [#tpu.dimension_semantics<core_parallel>, #tpu.dimension_semantics<subcore_parallel>], iteration_bounds = array<i64: 2, 16>, scalar_prefetch = 0 : i64, scratch_operands = 4 : i64, tpu.core_type = #tpu.core_type<sc_vector_subcore>, window_params = [{transform_indices = #map}, {transform_indices = #map1}, {transform_indices = #map1}]} {
    %mul3A = arith.constant 2 : i32
    %mul3A_0 = arith.muli %arg1, %mul3A : i32
    %add3A = arith.addi %mul3A_0, %arg0 : i32
    %jit3A = arith.constant 8 : i32
    %div3A = arith.divsi %add3A, %jit3A : i32
    %sign3A = arith.constant 0 : i32
    %sign3A_1 = arith.cmpi sgt, %add3A, %sign3A : i32
    %sign3A_2 = arith.extui %sign3A_1 : i1 to i32
    %sign3A_3 = arith.constant 0 : i32
    %sign3A_4 = arith.cmpi slt, %add3A, %sign3A_3 : i32
    %sign3A_5 = arith.extui %sign3A_4 : i1 to i32
    %sign3A_6 = arith.subi %sign3A_2, %sign3A_5 : i32
    %sign3A_7 = arith.constant 0 : i32
    %sign3A_8 = arith.cmpi sgt, %jit3A, %sign3A_7 : i32
    %sign3A_9 = arith.extui %sign3A_8 : i1 to i32
    %sign3A_10 = arith.constant 0 : i32
    %sign3A_11 = arith.cmpi slt, %jit3A, %sign3A_10 : i32
    %sign3A_12 = arith.extui %sign3A_11 : i1 to i32
    %sign3A_13 = arith.subi %sign3A_9, %sign3A_12 : i32
    %ne3A = arith.cmpi ne, %sign3A_6, %sign3A_13 : i32
    %rem3A = arith.remsi %add3A, %jit3A : i32
    %ne3A_14 = arith.constant 0 : i32
    %ne3A_15 = arith.cmpi ne, %rem3A, %ne3A_14 : i32
    %and3A = arith.andi %ne3A, %ne3A_15 : i1
    %sub3A = arith.constant 1 : i32
    %sub3A_16 = arith.subi %div3A, %sub3A : i32
    %select_n3A = arith.select %and3A, %sub3A_16, %div3A : i32
    %jit3A_17 = arith.constant 8 : i32
    %eq3A = arith.constant 0 : i32
    %eq3A_18 = arith.cmpi eq, %jit3A_17, %eq3A : i32
    %jit3A_19 = arith.constant 1 : i32
    %select_n3A_20 = arith.select %eq3A_18, %jit3A_19, %jit3A_17 : i32
    %rem3A_21 = arith.remsi %add3A, %select_n3A_20 : i32
    %ne3A_22 = arith.constant 0 : i32
    %ne3A_23 = arith.cmpi ne, %rem3A_21, %ne3A_22 : i32
    %lt3A = arith.constant 0 : i32
    %lt3A_24 = arith.cmpi slt, %rem3A_21, %lt3A : i32
    %lt3A_25 = arith.constant 0 : i32
    %lt3A_26 = arith.cmpi slt, %select_n3A_20, %lt3A_25 : i32
    %ne3A_27 = arith.xori %lt3A_24, %lt3A_26 : i1
    %and3A_28 = arith.andi %ne3A_27, %ne3A_23 : i1
    %add3A_29 = arith.addi %rem3A_21, %select_n3A_20 : i32
    %select_n3A_30 = arith.select %and3A_28, %add3A_29, %rem3A_21 : i32
    %mul3A_31 = arith.constant 256 : i32
    %mul3A_32 = arith.muli %select_n3A_30, %mul3A_31 : i32
    %dma_start3A = arith.constant 0 : i32
    %dma_start3A_33 = arith.constant 0 : i32
    %dma_start3A_34 = tpu.memref_slice %arg5[%dma_start3A, %dma_start3A_33] : memref<2x512xf32, #tpu.memory_space<vmem>> -> memref<1x512xf32, #tpu.memory_space<vmem>>
    %dma_start3A_35 = tpu.memref_squeeze %dma_start3A_34 : memref<1x512xf32, #tpu.memory_space<vmem>> -> memref<512xf32, #tpu.memory_space<vmem>>
    %dma_start3A_36 = arith.constant 0 : i32
    %dma_start3A_37 = tpu.memref_slice %arg2[%mul3A_32, %select_n3A, %dma_start3A_36] : memref<2048x4x512xf32, #tpu.memory_space<hbm>> -> memref<1x1x512xf32, #tpu.memory_space<hbm>>
    %dma_start3A_38 = tpu.memref_squeeze %dma_start3A_37 : memref<1x1x512xf32, #tpu.memory_space<hbm>> -> memref<512xf32, #tpu.memory_space<hbm>>
    %dma_start3A_39 = arith.constant 0 : i32
    %dma_start3A_40 = tpu.memref_slice %arg5[%dma_start3A, %dma_start3A_39] : memref<2x512xf32, #tpu.memory_space<vmem>> -> memref<1x512xf32, #tpu.memory_space<vmem>>
    %dma_start3A_41 = tpu.memref_squeeze %dma_start3A_40 : memref<1x512xf32, #tpu.memory_space<vmem>> -> memref<512xf32, #tpu.memory_space<vmem>>
    %dma_start3A_42 = arith.constant 0 : i32
    %dma_start3A_43 = tpu.memref_slice %arg2[%mul3A_32, %select_n3A, %dma_start3A_42] : memref<2048x4x512xf32, #tpu.memory_space<hbm>> -> memref<1x1x512xf32, #tpu.memory_space<hbm>>
    %dma_start3A_44 = tpu.memref_squeeze %dma_start3A_43 : memref<1x1x512xf32, #tpu.memory_space<hbm>> -> memref<512xf32, #tpu.memory_space<hbm>>
    tpu.enqueue_dma source(%dma_start3A_44 : memref<512xf32, #tpu.memory_space<hbm>>) target(%dma_start3A_41 : memref<512xf32, #tpu.memory_space<vmem>>) target_semaphore(%arg8 : memref<!tpu.dma_semaphore, #tpu.memory_space<semaphore_mem>>)
    %scan3A = arith.constant 0 : i32
    %scan3A_45 = arith.constant 0 : i32
    %scan3A_46 = arith.constant 256 : i32
    %scan3A_47 = arith.addi %scan3A_45, %scan3A_46 : i32
    %scan3A_48 = arith.constant 1 : i32
    %scan3A_49 = scf.for %scan3A_51 = %scan3A_45 to %scan3A_47 step %scan3A_48 iter_args(%scan3A_52 = %scan3A) -> (i32)  : i32 {
      %rem3A_53 = arith.constant 2 : i32
      %rem3A_54 = arith.remsi %scan3A_51, %rem3A_53 : i32
      %dma_wait3A = arith.constant 0 : i32
      %dma_wait3A_55 = tpu.memref_slice %arg5[%rem3A_54, %dma_wait3A] : memref<2x512xf32, #tpu.memory_space<vmem>> -> memref<1x512xf32, #tpu.memory_space<vmem>>
      %dma_wait3A_56 = tpu.memref_squeeze %dma_wait3A_55 : memref<1x512xf32, #tpu.memory_space<vmem>> -> memref<512xf32, #tpu.memory_space<vmem>>
      %dma_wait3A_57 = arith.constant 0 : i32
      %dma_wait3A_58 = tpu.memref_slice %arg2[%mul3A_32, %select_n3A, %dma_wait3A_57] : memref<2048x4x512xf32, #tpu.memory_space<hbm>> -> memref<1x1x512xf32, #tpu.memory_space<hbm>>
      %dma_wait3A_59 = tpu.memref_squeeze %dma_wait3A_58 : memref<1x1x512xf32, #tpu.memory_space<hbm>> -> memref<512xf32, #tpu.memory_space<hbm>>
      %dma_wait3A_60 = arith.constant 0 : i32
      %dma_wait3A_61 = tpu.memref_slice %arg5[%rem3A_54, %dma_wait3A_60] : memref<2x512xf32, #tpu.memory_space<vmem>> -> memref<1x512xf32, #tpu.memory_space<vmem>>
      %dma_wait3A_62 = tpu.memref_squeeze %dma_wait3A_61 : memref<1x512xf32, #tpu.memory_space<vmem>> -> memref<512xf32, #tpu.memory_space<vmem>>
      %dma_wait3A_63 = arith.constant 0 : i32
      %dma_wait3A_64 = tpu.memref_slice %arg2[%mul3A_32, %select_n3A, %dma_wait3A_63] : memref<2048x4x512xf32, #tpu.memory_space<hbm>> -> memref<1x1x512xf32, #tpu.memory_space<hbm>>
      %dma_wait3A_65 = tpu.memref_squeeze %dma_wait3A_64 : memref<1x1x512xf32, #tpu.memory_space<hbm>> -> memref<512xf32, #tpu.memory_space<hbm>>
      tpu.wait_dma2 semaphore(%arg8 : memref<!tpu.dma_semaphore, #tpu.memory_space<semaphore_mem>>) src(%dma_wait3A_65 : memref<512xf32, #tpu.memory_space<hbm>>) dst(%dma_wait3A_62 : memref<512xf32, #tpu.memory_space<vmem>>)
      %add3A_66 = arith.constant 1 : i32
      %add3A_67 = arith.addi %scan3A_51, %add3A_66 : i32
      %lt3A_68 = arith.constant 256 : i32
      %lt3A_69 = arith.cmpi slt, %add3A_67, %lt3A_68 : i32
      %convert_element_type3A = arith.extui %lt3A_69 : i1 to i32
      %cond3A = arith.constant 0 : i32
      %cond3A_70 = arith.cmpi ne, %convert_element_type3A, %cond3A : i32
      scf.if %cond3A_70 {
        %add3A_1392 = arith.addi %mul3A_32, %scan3A_51 : i32
        %add3A_1393 = arith.constant 1 : i32
        %add3A_1394 = arith.addi %add3A_1392, %add3A_1393 : i32
        %add3A_1395 = arith.constant 1 : i32
        %add3A_1396 = arith.addi %scan3A_51, %add3A_1395 : i32
        %rem3A_1397 = arith.constant 2 : i32
        %rem3A_1398 = arith.remsi %add3A_1396, %rem3A_1397 : i32
        %dma_start3A_1399 = arith.constant 0 : i32
        %dma_start3A_1400 = tpu.memref_slice %arg5[%rem3A_1398, %dma_start3A_1399] : memref<2x512xf32, #tpu.memory_space<vmem>> -> memref<1x512xf32, #tpu.memory_space<vmem>>
        %dma_start3A_1401 = tpu.memref_squeeze %dma_start3A_1400 : memref<1x512xf32, #tpu.memory_space<vmem>> -> memref<512xf32, #tpu.memory_space<vmem>>
        %dma_start3A_1402 = arith.constant 0 : i32
        %dma_start3A_1403 = tpu.memref_slice %arg2[%add3A_1394, %select_n3A, %dma_start3A_1402] : memref<2048x4x512xf32, #tpu.memory_space<hbm>> -> memref<1x1x512xf32, #tpu.memory_space<hbm>>
        %dma_start3A_1404 = tpu.memref_squeeze %dma_start3A_1403 : memref<1x1x512xf32, #tpu.memory_space<hbm>> -> memref<512xf32, #tpu.memory_space<hbm>>
        %dma_start3A_1405 = arith.constant 0 : i32
        %dma_start3A_1406 = tpu.memref_slice %arg5[%rem3A_1398, %dma_start3A_1405] : memref<2x512xf32, #tpu.memory_space<vmem>> -> memref<1x512xf32, #tpu.memory_space<vmem>>
        %dma_start3A_1407 = tpu.memref_squeeze %dma_start3A_1406 : memref<1x512xf32, #tpu.memory_space<vmem>> -> memref<512xf32, #tpu.memory_space<vmem>>
        %dma_start3A_1408 = arith.constant 0 : i32
        %dma_start3A_1409 = tpu.memref_slice %arg2[%add3A_1394, %select_n3A, %dma_start3A_1408] : memref<2048x4x512xf32, #tpu.memory_space<hbm>> -> memref<1x1x512xf32, #tpu.memory_space<hbm>>
        %dma_start3A_1410 = tpu.memref_squeeze %dma_start3A_1409 : memref<1x1x512xf32, #tpu.memory_space<hbm>> -> memref<512xf32, #tpu.memory_space<hbm>>
        tpu.enqueue_dma source(%dma_start3A_1410 : memref<512xf32, #tpu.memory_space<hbm>>) target(%dma_start3A_1407 : memref<512xf32, #tpu.memory_space<vmem>>) target_semaphore(%arg8 : memref<!tpu.dma_semaphore, #tpu.memory_space<semaphore_mem>>)
      } else {
      }
      %get3A = arith.index_cast %rem3A_54 : i32 to index
      %get3A_71 = arith.constant 0 : index
      %get3A_72 = tpu.vector_load %arg5[%get3A, %get3A_71] {strides = array<i32>} : memref<2x512xf32, #tpu.memory_space<vmem>>, vector<16xf32>,
      %get3A_73 = arith.index_cast %rem3A_54 : i32 to index
      %get3A_74 = arith.constant 16 : index
      %get3A_75 = tpu.vector_load %arg5[%get3A_73, %get3A_74] {strides = array<i32>} : memref<2x512xf32, #tpu.memory_space<vmem>>, vector<16xf32>,
      %iota3A = tpu.iota {dimensions = array<i32: 0>} : vector<16xi32>
      %add3A_76 = arith.constant 0 : i32
      %add3A_77 = vector.broadcast %add3A_76 : i32 to vector<16xi32>
      %add3A_78 = arith.addi %iota3A, %add3A_77 : vector<16xi32>
      %iota3A_79 = tpu.iota {dimensions = array<i32: 0>} : vector<16xi32>
      %add3A_80 = arith.constant 16 : i32
      %add3A_81 = vector.broadcast %add3A_80 : i32 to vector<16xi32>
      %add3A_82 = arith.addi %iota3A_79, %add3A_81 : vector<16xi32>
      %masked_sort3A = arith.constant dense<true> : vector<16xi1>
      %masked_sort3A_83, %masked_sort3A_84, %masked_sort3A_85 = tpu.sort %get3A_72, %add3A_78 masked %masked_sort3A {descending = true} : (vector<16xf32>, vector<16xi32>, vector<16xi1>) -> (vector<16xi1>, vector<16xf32>, vector<16xi32>)
      %masked_sort3A_86 = arith.constant dense<true> : vector<16xi1>
      %masked_sort3A_87, %masked_sort3A_88, %masked_sort3A_89 = tpu.sort %get3A_75, %add3A_82 masked %masked_sort3A_86 {descending = true} : (vector<16xf32>, vector<16xi32>, vector<16xi1>) -> (vector<16xi1>, vector<16xf32>, vector<16xi32>)
      %rev3A = arith.constant 15 : i32
      %rev3A_90 = vector.broadcast %rev3A : i32 to vector<16xi32>
      %rev3A_91 = tpu.iota {dimensions = array<i32: 0>} : vector<16xi32>
      %rev3A_92 = arith.subi %rev3A_90, %rev3A_91 : vector<16xi32>
      %rev3A_93 = tpu.dynamic_gather %masked_sort3A_88[%rev3A_92] in [0] : vector<16xf32>, vector<16xi32> -> vector<16xf32>
      %rev3A_94 = arith.constant 15 : i32
      %rev3A_95 = vector.broadcast %rev3A_94 : i32 to vector<16xi32>
      %rev3A_96 = tpu.iota {dimensions = array<i32: 0>} : vector<16xi32>
      %rev3A_97 = arith.subi %rev3A_95, %rev3A_96 : vector<16xi32>
      %rev3A_98 = tpu.dynamic_gather %masked_sort3A_89[%rev3A_97] in [0] : vector<16xi32>, vector<16xi32> -> vector<16xi32>
      %ge3A = arith.cmpf oge, %masked_sort3A_84, %rev3A_93 : vector<16xf32>
      %select_n3A_99 = arith.select %ge3A, %masked_sort3A_84, %rev3A_93 : vector<16xi1>, vector<16xf32>
      %select_n3A_100 = arith.select %ge3A, %masked_sort3A_85, %rev3A_98 : vector<16xi1>, vector<16xi32>
      %select_n3A_101 = arith.select %ge3A, %rev3A_93, %masked_sort3A_84 : vector<16xi1>, vector<16xf32>
      %select_n3A_102 = arith.select %ge3A, %rev3A_98, %masked_sort3A_85 : vector<16xi1>, vector<16xi32>
      %masked_sort3A_103 = arith.constant dense<true> : vector<16xi1>
      %masked_sort3A_104, %masked_sort3A_105, %masked_sort3A_106 = tpu.sort %select_n3A_99, %select_n3A_100 masked %masked_sort3A_103 {descending = true} : (vector<16xf32>, vector<16xi32>, vector<16xi1>) -> (vector<16xi1>, vector<16xf32>, vector<16xi32>)
      %masked_sort3A_107 = arith.constant dense<true> : vector<16xi1>
      %masked_sort3A_108, %masked_sort3A_109, %masked_sort3A_110 = tpu.sort %select_n3A_101, %select_n3A_102 masked %masked_sort3A_107 {descending = true} : (vector<16xf32>, vector<16xi32>, vector<16xi1>) -> (vector<16xi1>, vector<16xf32>, vector<16xi32>)
      %get3A_111 = arith.index_cast %rem3A_54 : i32 to index
      %get3A_112 = arith.constant 32 : index
      %get3A_113 = tpu.vector_load %arg5[%get3A_111, %get3A_112] {strides = array<i32>} : memref<2x512xf32, #tpu.memory_space<vmem>>, vector<16xf32>,
      %get3A_114 = arith.index_cast %rem3A_54 : i32 to index
      %get3A_115 = arith.constant 48 : index
      %get3A_116 = tpu.vector_load %arg5[%get3A_114, %get3A_115] {strides = array<i32>} : memref<2x512xf32, #tpu.memory_space<vmem>>, vector<16xf32>,
      %iota3A_117 = tpu.iota {dimensions = array<i32: 0>} : vector<16xi32>
      %add3A_118 = arith.constant 32 : i32
      %add3A_119 = vector.broadcast %add3A_118 : i32 to vector<16xi32>
      %add3A_120 = arith.addi %iota3A_117, %add3A_119 : vector<16xi32>
      %iota3A_121 = tpu.iota {dimensions = array<i32: 0>} : vector<16xi32>
      %add3A_122 = arith.constant 48 : i32
      %add3A_123 = vector.broadcast %add3A_122 : i32 to vector<16xi32>
      %add3A_124 = arith.addi %iota3A_121, %add3A_123 : vector<16xi32>
      %masked_sort3A_125 = arith.constant dense<true> : vector<16xi1>
      %masked_sort3A_126, %masked_sort3A_127, %masked_sort3A_128 = tpu.sort %get3A_113, %add3A_120 masked %masked_sort3A_125 {descending = true} : (vector<16xf32>, vector<16xi32>, vector<16xi1>) -> (vector<16xi1>, vector<16xf32>, vector<16xi32>)
      %masked_sort3A_129 = arith.constant dense<true> : vector<16xi1>
      %masked_sort3A_130, %masked_sort3A_131, %masked_sort3A_132 = tpu.sort %get3A_116, %add3A_124 masked %masked_sort3A_129 {descending = true} : (vector<16xf32>, vector<16xi32>, vector<16xi1>) -> (vector<16xi1>, vector<16xf32>, vector<16xi32>)
      %rev3A_133 = arith.constant 15 : i32
      %rev3A_134 = vector.broadcast %rev3A_133 : i32 to vector<16xi32>
      %rev3A_135 = tpu.iota {dimensions = array<i32: 0>} : vector<16xi32>
      %rev3A_136 = arith.subi %rev3A_134, %rev3A_135 : vector<16xi32>
      %rev3A_137 = tpu.dynamic_gather %masked_sort3A_131[%rev3A_136] in [0] : vector<16xf32>, vector<16xi32> -> vector<16xf32>
      %rev3A_138 = arith.constant 15 : i32
      %rev3A_139 = vector.broadcast %rev3A_138 : i32 to vector<16xi32>
      %rev3A_140 = tpu.iota {dimensions = array<i32: 0>} : vector<16xi32>
      %rev3A_141 = arith.subi %rev3A_139, %rev3A_140 : vector<16xi32>
      %rev3A_142 = tpu.dynamic_gather %masked_sort3A_132[%rev3A_141] in [0] : vector<16xi32>, vector<16xi32> -> vector<16xi32>
      %ge3A_143 = arith.cmpf oge, %masked_sort3A_127, %rev3A_137 : vector<16xf32>
      %select_n3A_144 = arith.select %ge3A_143, %masked_sort3A_127, %rev3A_137 : vector<16xi1>, vector<16xf32>
      %select_n3A_145 = arith.select %ge3A_143, %masked_sort3A_128, %rev3A_142 : vector<16xi1>, vector<16xi32>
      %select_n3A_146 = arith.select %ge3A_143, %rev3A_137, %masked_sort3A_127 : vector<16xi1>, vector<16xf32>
      %select_n3A_147 = arith.select %ge3A_143, %rev3A_142, %masked_sort3A_128 : vector<16xi1>, vector<16xi32>
      %masked_sort3A_148 = arith.constant dense<true> : vector<16xi1>
      %masked_sort3A_149, %masked_sort3A_150, %masked_sort3A_151 = tpu.sort %select_n3A_144, %select_n3A_145 masked %masked_sort3A_148 {descending = true} : (vector<16xf32>, vector<16xi32>, vector<16xi1>) -> (vector<16xi1>, vector<16xf32>, vector<16xi32>)
      %masked_sort3A_152 = arith.constant dense<true> : vector<16xi1>
      %masked_sort3A_153, %masked_sort3A_154, %masked_sort3A_155 = tpu.sort %select_n3A_146, %select_n3A_147 masked %masked_sort3A_152 {descending = true} : (vector<16xf32>, vector<16xi32>, vector<16xi1>) -> (vector<16xi1>, vector<16xf32>, vector<16xi32>)
      %get3A_156 = arith.index_cast %rem3A_54 : i32 to index
      %get3A_157 = arith.constant 64 : index
      %get3A_158 = tpu.vector_load %arg5[%get3A_156, %get3A_157] {strides = array<i32>} : memref<2x512xf32, #tpu.memory_space<vmem>>, vector<16xf32>,
      %get3A_159 = arith.index_cast %rem3A_54 : i32 to index
      %get3A_160 = arith.constant 80 : index
      %get3A_161 = tpu.vector_load %arg5[%get3A_159, %get3A_160] {strides = array<i32>} : memref<2x512xf32, #tpu.memory_space<vmem>>, vector<16xf32>,
      %iota3A_162 = tpu.iota {dimensions = array<i32: 0>} : vector<16xi32>
      %add3A_163 = arith.constant 64 : i32
      %add3A_164 = vector.broadcast %add3A_163 : i32 to vector<16xi32>
      %add3A_165 = arith.addi %iota3A_162, %add3A_164 : vector<16xi32>
      %iota3A_166 = tpu.iota {dimensions = array<i32: 0>} : vector<16xi32>
      %add3A_167 = arith.constant 80 : i32
      %add3A_168 = vector.broadcast %add3A_167 : i32 to vector<16xi32>
      %add3A_169 = arith.addi %iota3A_166, %add3A_168 : vector<16xi32>
      %masked_sort3A_170 = arith.constant dense<true> : vector<16xi1>
      %masked_sort3A_171, %masked_sort3A_172, %masked_sort3A_173 = tpu.sort %get3A_158, %add3A_165 masked %masked_sort3A_170 {descending = true} : (vector<16xf32>, vector<16xi32>, vector<16xi1>) -> (vector<16xi1>, vector<16xf32>, vector<16xi32>)
      %masked_sort3A_174 = arith.constant dense<true> : vector<16xi1>
      %masked_sort3A_175, %masked_sort3A_176, %masked_sort3A_177 = tpu.sort %get3A_161, %add3A_169 masked %masked_sort3A_174 {descending = true} : (vector<16xf32>, vector<16xi32>, vector<16xi1>) -> (vector<16xi1>, vector<16xf32>, vector<16xi32>)
      %rev3A_178 = arith.constant 15 : i32
      %rev3A_179 = vector.broadcast %rev3A_178 : i32 to vector<16xi32>
      %rev3A_180 = tpu.iota {dimensions = array<i32: 0>} : vector<16xi32>
      %rev3A_181 = arith.subi %rev3A_179, %rev3A_180 : vector<16xi32>
      %rev3A_182 = tpu.dynamic_gather %masked_sort3A_176[%rev3A_181] in [0] : vector<16xf32>, vector<16xi32> -> vector<16xf32>
      %rev3A_183 = arith.constant 15 : i32
      %rev3A_184 = vector.broadcast %rev3A_183 : i32 to vector<16xi32>
      %rev3A_185 = tpu.iota {dimensions = array<i32: 0>} : vector<16xi32>
      %rev3A_186 = arith.subi %rev3A_184, %rev3A_185 : vector<16xi32>
      %rev3A_187 = tpu.dynamic_gather %masked_sort3A_177[%rev3A_186] in [0] : vector<16xi32>, vector<16xi32> -> vector<16xi32>
      %ge3A_188 = arith.cmpf oge, %masked_sort3A_172, %rev3A_182 : vector<16xf32>
      %select_n3A_189 = arith.select %ge3A_188, %masked_sort3A_172, %rev3A_182 : vector<16xi1>, vector<16xf32>
      %select_n3A_190 = arith.select %ge3A_188, %masked_sort3A_173, %rev3A_187 : vector<16xi1>, vector<16xi32>
      %select_n3A_191 = arith.select %ge3A_188, %rev3A_182, %masked_sort3A_172 : vector<16xi1>, vector<16xf32>
      %select_n3A_192 = arith.select %ge3A_188, %rev3A_187, %masked_sort3A_173 : vector<16xi1>, vector<16xi32>
      %masked_sort3A_193 = arith.constant dense<true> : vector<16xi1>
      %masked_sort3A_194, %masked_sort3A_195, %masked_sort3A_196 = tpu.sort %select_n3A_189, %select_n3A_190 masked %masked_sort3A_193 {descending = true} : (vector<16xf32>, vector<16xi32>, vector<16xi1>) -> (vector<16xi1>, vector<16xf32>, vector<16xi32>)
      %masked_sort3A_197 = arith.constant dense<true> : vector<16xi1>
      %masked_sort3A_198, %masked_sort3A_199, %masked_sort3A_200 = tpu.sort %select_n3A_191, %select_n3A_192 masked %masked_sort3A_197 {descending = true} : (vector<16xf32>, vector<16xi32>, vector<16xi1>) -> (vector<16xi1>, vector<16xf32>, vector<16xi32>)
      %get3A_201 = arith.index_cast %rem3A_54 : i32 to index
      %get3A_202 = arith.constant 96 : index
      %get3A_203 = tpu.vector_load %arg5[%get3A_201, %get3A_202] {strides = array<i32>} : memref<2x512xf32, #tpu.memory_space<vmem>>, vector<16xf32>,
      %get3A_204 = arith.index_cast %rem3A_54 : i32 to index
      %get3A_205 = arith.constant 112 : index
      %get3A_206 = tpu.vector_load %arg5[%get3A_204, %get3A_205] {strides = array<i32>} : memref<2x512xf32, #tpu.memory_space<vmem>>, vector<16xf32>,
      %iota3A_207 = tpu.iota {dimensions = array<i32: 0>} : vector<16xi32>
      %add3A_208 = arith.constant 96 : i32
      %add3A_209 = vector.broadcast %add3A_208 : i32 to vector<16xi32>
      %add3A_210 = arith.addi %iota3A_207, %add3A_209 : vector<16xi32>
      %iota3A_211 = tpu.iota {dimensions = array<i32: 0>} : vector<16xi32>
      %add3A_212 = arith.constant 112 : i32
      %add3A_213 = vector.broadcast %add3A_212 : i32 to vector<16xi32>
      %add3A_214 = arith.addi %iota3A_211, %add3A_213 : vector<16xi32>
      %masked_sort3A_215 = arith.constant dense<true> : vector<16xi1>
      %masked_sort3A_216, %masked_sort3A_217, %masked_sort3A_218 = tpu.sort %get3A_203, %add3A_210 masked %masked_sort3A_215 {descending = true} : (vector<16xf32>, vector<16xi32>, vector<16xi1>) -> (vector<16xi1>, vector<16xf32>, vector<16xi32>)
      %masked_sort3A_219 = arith.constant dense<true> : vector<16xi1>
      %masked_sort3A_220, %masked_sort3A_221, %masked_sort3A_222 = tpu.sort %get3A_206, %add3A_214 masked %masked_sort3A_219 {descending = true} : (vector<16xf32>, vector<16xi32>, vector<16xi1>) -> (vector<16xi1>, vector<16xf32>, vector<16xi32>)
      %rev3A_223 = arith.constant 15 : i32
      %rev3A_224 = vector.broadcast %rev3A_223 : i32 to vector<16xi32>
      %rev3A_225 = tpu.iota {dimensions = array<i32: 0>} : vector<16xi32>
      %rev3A_226 = arith.subi %rev3A_224, %rev3A_225 : vector<16xi32>
      %rev3A_227 = tpu.dynamic_gather %masked_sort3A_221[%rev3A_226] in [0] : vector<16xf32>, vector<16xi32> -> vector<16xf32>
      %rev3A_228 = arith.constant 15 : i32
      %rev3A_229 = vector.broadcast %rev3A_228 : i32 to vector<16xi32>
      %rev3A_230 = tpu.iota {dimensions = array<i32: 0>} : vector<16xi32>
      %rev3A_231 = arith.subi %rev3A_229, %rev3A_230 : vector<16xi32>
      %rev3A_232 = tpu.dynamic_gather %masked_sort3A_222[%rev3A_231] in [0] : vector<16xi32>, vector<16xi32> -> vector<16xi32>
      %ge3A_233 = arith.cmpf oge, %masked_sort3A_217, %rev3A_227 : vector<16xf32>
      %select_n3A_234 = arith.select %ge3A_233, %masked_sort3A_217, %rev3A_227 : vector<16xi1>, vector<16xf32>
      %select_n3A_235 = arith.select %ge3A_233, %masked_sort3A_218, %rev3A_232 : vector<16xi1>, vector<16xi32>
      %select_n3A_236 = arith.select %ge3A_233, %rev3A_227, %masked_sort3A_217 : vector<16xi1>, vector<16xf32>
      %select_n3A_237 = arith.select %ge3A_233, %rev3A_232, %masked_sort3A_218 : vector<16xi1>, vector<16xi32>
      %masked_sort3A_238 = arith.constant dense<true> : vector<16xi1>
      %masked_sort3A_239, %masked_sort3A_240, %masked_sort3A_241 = tpu.sort %select_n3A_234, %select_n3A_235 masked %masked_sort3A_238 {descending = true} : (vector<16xf32>, vector<16xi32>, vector<16xi1>) -> (vector<16xi1>, vector<16xf32>, vector<16xi32>)
      %masked_sort3A_242 = arith.constant dense<true> : vector<16xi1>
      %masked_sort3A_243, %masked_sort3A_244, %masked_sort3A_245 = tpu.sort %select_n3A_236, %select_n3A_237 masked %masked_sort3A_242 {descending = true} : (vector<16xf32>, vector<16xi32>, vector<16xi1>) -> (vector<16xi1>, vector<16xf32>, vector<16xi32>)
      %get3A_246 = arith.index_cast %rem3A_54 : i32 to index
      %get3A_247 = arith.constant 128 : index
      %get3A_248 = tpu.vector_load %arg5[%get3A_246, %get3A_247] {strides = array<i32>} : memref<2x512xf32, #tpu.memory_space<vmem>>, vector<16xf32>,
      %get3A_249 = arith.index_cast %rem3A_54 : i32 to index
      %get3A_250 = arith.constant 144 : index
      %get3A_251 = tpu.vector_load %arg5[%get3A_249, %get3A_250] {strides = array<i32>} : memref<2x512xf32, #tpu.memory_space<vmem>>, vector<16xf32>,
      %iota3A_252 = tpu.iota {dimensions = array<i32: 0>} : vector<16xi32>
      %add3A_253 = arith.constant 128 : i32
      %add3A_254 = vector.broadcast %add3A_253 : i32 to vector<16xi32>
      %add3A_255 = arith.addi %iota3A_252, %add3A_254 : vector<16xi32>
      %iota3A_256 = tpu.iota {dimensions = array<i32: 0>} : vector<16xi32>
      %add3A_257 = arith.constant 144 : i32
      %add3A_258 = vector.broadcast %add3A_257 : i32 to vector<16xi32>
      %add3A_259 = arith.addi %iota3A_256, %add3A_258 : vector<16xi32>
      %masked_sort3A_260 = arith.constant dense<true> : vector<16xi1>
      %masked_sort3A_261, %masked_sort3A_262, %masked_sort3A_263 = tpu.sort %get3A_248, %add3A_255 masked %masked_sort3A_260 {descending = true} : (vector<16xf32>, vector<16xi32>, vector<16xi1>) -> (vector<16xi1>, vector<16xf32>, vector<16xi32>)
      %masked_sort3A_264 = arith.constant dense<true> : vector<16xi1>
      %masked_sort3A_265, %masked_sort3A_266, %masked_sort3A_267 = tpu.sort %get3A_251, %add3A_259 masked %masked_sort3A_264 {descending = true} : (vector<16xf32>, vector<16xi32>, vector<16xi1>) -> (vector<16xi1>, vector<16xf32>, vector<16xi32>)
      %rev3A_268 = arith.constant 15 : i32
      %rev3A_269 = vector.broadcast %rev3A_268 : i32 to vector<16xi32>
      %rev3A_270 = tpu.iota {dimensions = array<i32: 0>} : vector<16xi32>
      %rev3A_271 = arith.subi %rev3A_269, %rev3A_270 : vector<16xi32>
      %rev3A_272 = tpu.dynamic_gather %masked_sort3A_266[%rev3A_271] in [0] : vector<16xf32>, vector<16xi32> -> vector<16xf32>
      %rev3A_273 = arith.constant 15 : i32
      %rev3A_274 = vector.broadcast %rev3A_273 : i32 to vector<16xi32>
      %rev3A_275 = tpu.iota {dimensions = array<i32: 0>} : vector<16xi32>
      %rev3A_276 = arith.subi %rev3A_274, %rev3A_275 : vector<16xi32>
      %rev3A_277 = tpu.dynamic_gather %masked_sort3A_267[%rev3A_276] in [0] : vector<16xi32>, vector<16xi32> -> vector<16xi32>
      %ge3A_278 = arith.cmpf oge, %masked_sort3A_262, %rev3A_272 : vector<16xf32>
      %select_n3A_279 = arith.select %ge3A_278, %masked_sort3A_262, %rev3A_272 : vector<16xi1>, vector<16xf32>
      %select_n3A_280 = arith.select %ge3A_278, %masked_sort3A_263, %rev3A_277 : vector<16xi1>, vector<16xi32>
      %select_n3A_281 = arith.select %ge3A_278, %rev3A_272, %masked_sort3A_262 : vector<16xi1>, vector<16xf32>
      %select_n3A_282 = arith.select %ge3A_278, %rev3A_277, %masked_sort3A_263 : vector<16xi1>, vector<16xi32>
      %masked_sort3A_283 = arith.constant dense<true> : vector<16xi1>
      %masked_sort3A_284, %masked_sort3A_285, %masked_sort3A_286 = tpu.sort %select_n3A_279, %select_n3A_280 masked %masked_sort3A_283 {descending = true} : (vector<16xf32>, vector<16xi32>, vector<16xi1>) -> (vector<16xi1>, vector<16xf32>, vector<16xi32>)
      %masked_sort3A_287 = arith.constant dense<true> : vector<16xi1>
      %masked_sort3A_288, %masked_sort3A_289, %masked_sort3A_290 = tpu.sort %select_n3A_281, %select_n3A_282 masked %masked_sort3A_287 {descending = true} : (vector<16xf32>, vector<16xi32>, vector<16xi1>) -> (vector<16xi1>, vector<16xf32>, vector<16xi32>)
      %get3A_291 = arith.index_cast %rem3A_54 : i32 to index
      %get3A_292 = arith.constant 160 : index
      %get3A_293 = tpu.vector_load %arg5[%get3A_291, %get3A_292] {strides = array<i32>} : memref<2x512xf32, #tpu.memory_space<vmem>>, vector<16xf32>,
      %get3A_294 = arith.index_cast %rem3A_54 : i32 to index
      %get3A_295 = arith.constant 176 : index
      %get3A_296 = tpu.vector_load %arg5[%get3A_294, %get3A_295] {strides = array<i32>} : memref<2x512xf32, #tpu.memory_space<vmem>>, vector<16xf32>,
      %iota3A_297 = tpu.iota {dimensions = array<i32: 0>} : vector<16xi32>
      %add3A_298 = arith.constant 160 : i32
      %add3A_299 = vector.broadcast %add3A_298 : i32 to vector<16xi32>
      %add3A_300 = arith.addi %iota3A_297, %add3A_299 : vector<16xi32>
      %iota3A_301 = tpu.iota {dimensions = array<i32: 0>} : vector<16xi32>
      %add3A_302 = arith.constant 176 : i32
      %add3A_303 = vector.broadcast %add3A_302 : i32 to vector<16xi32>
      %add3A_304 = arith.addi %iota3A_301, %add3A_303 : vector<16xi32>
      %masked_sort3A_305 = arith.constant dense<true> : vector<16xi1>
      %masked_sort3A_306, %masked_sort3A_307, %masked_sort3A_308 = tpu.sort %get3A_293, %add3A_300 masked %masked_sort3A_305 {descending = true} : (vector<16xf32>, vector<16xi32>, vector<16xi1>) -> (vector<16xi1>, vector<16xf32>, vector<16xi32>)
      %masked_sort3A_309 = arith.constant dense<true> : vector<16xi1>
      %masked_sort3A_310, %masked_sort3A_311, %masked_sort3A_312 = tpu.sort %get3A_296, %add3A_304 masked %masked_sort3A_309 {descending = true} : (vector<16xf32>, vector<16xi32>, vector<16xi1>) -> (vector<16xi1>, vector<16xf32>, vector<16xi32>)
      %rev3A_313 = arith.constant 15 : i32
      %rev3A_314 = vector.broadcast %rev3A_313 : i32 to vector<16xi32>
      %rev3A_315 = tpu.iota {dimensions = array<i32: 0>} : vector<16xi32>
      %rev3A_316 = arith.subi %rev3A_314, %rev3A_315 : vector<16xi32>
      %rev3A_317 = tpu.dynamic_gather %masked_sort3A_311[%rev3A_316] in [0] : vector<16xf32>, vector<16xi32> -> vector<16xf32>
      %rev3A_318 = arith.constant 15 : i32
      %rev3A_319 = vector.broadcast %rev3A_318 : i32 to vector<16xi32>
      %rev3A_320 = tpu.iota {dimensions = array<i32: 0>} : vector<16xi32>
      %rev3A_321 = arith.subi %rev3A_319, %rev3A_320 : vector<16xi32>
      %rev3A_322 = tpu.dynamic_gather %masked_sort3A_312[%rev3A_321] in [0] : vector<16xi32>, vector<16xi32> -> vector<16xi32>
      %ge3A_323 = arith.cmpf oge, %masked_sort3A_307, %rev3A_317 : vector<16xf32>
      %select_n3A_324 = arith.select %ge3A_323, %masked_sort3A_307, %rev3A_317 : vector<16xi1>, vector<16xf32>
      %select_n3A_325 = arith.select %ge3A_323, %masked_sort3A_308, %rev3A_322 : vector<16xi1>, vector<16xi32>
      %select_n3A_326 = arith.select %ge3A_323, %rev3A_317, %masked_sort3A_307 : vector<16xi1>, vector<16xf32>
      %select_n3A_327 = arith.select %ge3A_323, %rev3A_322, %masked_sort3A_308 : vector<16xi1>, vector<16xi32>
      %masked_sort3A_328 = arith.constant dense<true> : vector<16xi1>
      %masked_sort3A_329, %masked_sort3A_330, %masked_sort3A_331 = tpu.sort %select_n3A_324, %select_n3A_325 masked %masked_sort3A_328 {descending = true} : (vector<16xf32>, vector<16xi32>, vector<16xi1>) -> (vector<16xi1>, vector<16xf32>, vector<16xi32>)
      %masked_sort3A_332 = arith.constant dense<true> : vector<16xi1>
      %masked_sort3A_333, %masked_sort3A_334, %masked_sort3A_335 = tpu.sort %select_n3A_326, %select_n3A_327 masked %masked_sort3A_332 {descending = true} : (vector<16xf32>, vector<16xi32>, vector<16xi1>) -> (vector<16xi1>, vector<16xf32>, vector<16xi32>)
      %get3A_336 = arith.index_cast %rem3A_54 : i32 to index
      %get3A_337 = arith.constant 192 : index
      %get3A_338 = tpu.vector_load %arg5[%get3A_336, %get3A_337] {strides = array<i32>} : memref<2x512xf32, #tpu.memory_space<vmem>>, vector<16xf32>,
      %get3A_339 = arith.index_cast %rem3A_54 : i32 to index
      %get3A_340 = arith.constant 208 : index
      %get3A_341 = tpu.vector_load %arg5[%get3A_339, %get3A_340] {strides = array<i32>} : memref<2x512xf32, #tpu.memory_space<vmem>>, vector<16xf32>,
      %iota3A_342 = tpu.iota {dimensions = array<i32: 0>} : vector<16xi32>
      %add3A_343 = arith.constant 192 : i32
      %add3A_344 = vector.broadcast %add3A_343 : i32 to vector<16xi32>
      %add3A_345 = arith.addi %iota3A_342, %add3A_344 : vector<16xi32>
      %iota3A_346 = tpu.iota {dimensions = array<i32: 0>} : vector<16xi32>
      %add3A_347 = arith.constant 208 : i32
      %add3A_348 = vector.broadcast %add3A_347 : i32 to vector<16xi32>
      %add3A_349 = arith.addi %iota3A_346, %add3A_348 : vector<16xi32>
      %masked_sort3A_350 = arith.constant dense<true> : vector<16xi1>
      %masked_sort3A_351, %masked_sort3A_352, %masked_sort3A_353 = tpu.sort %get3A_338, %add3A_345 masked %masked_sort3A_350 {descending = true} : (vector<16xf32>, vector<16xi32>, vector<16xi1>) -> (vector<16xi1>, vector<16xf32>, vector<16xi32>)
      %masked_sort3A_354 = arith.constant dense<true> : vector<16xi1>
      %masked_sort3A_355, %masked_sort3A_356, %masked_sort3A_357 = tpu.sort %get3A_341, %add3A_349 masked %masked_sort3A_354 {descending = true} : (vector<16xf32>, vector<16xi32>, vector<16xi1>) -> (vector<16xi1>, vector<16xf32>, vector<16xi32>)
      %rev3A_358 = arith.constant 15 : i32
      %rev3A_359 = vector.broadcast %rev3A_358 : i32 to vector<16xi32>
      %rev3A_360 = tpu.iota {dimensions = array<i32: 0>} : vector<16xi32>
      %rev3A_361 = arith.subi %rev3A_359, %rev3A_360 : vector<16xi32>
      %rev3A_362 = tpu.dynamic_gather %masked_sort3A_356[%rev3A_361] in [0] : vector<16xf32>, vector<16xi32> -> vector<16xf32>
      %rev3A_363 = arith.constant 15 : i32
      %rev3A_364 = vector.broadcast %rev3A_363 : i32 to vector<16xi32>
      %rev3A_365 = tpu.iota {dimensions = array<i32: 0>} : vector<16xi32>
      %rev3A_366 = arith.subi %rev3A_364, %rev3A_365 : vector<16xi32>
      %rev3A_367 = tpu.dynamic_gather %masked_sort3A_357[%rev3A_366] in [0] : vector<16xi32>, vector<16xi32> -> vector<16xi32>
      %ge3A_368 = arith.cmpf oge, %masked_sort3A_352, %rev3A_362 : vector<16xf32>
      %select_n3A_369 = arith.select %ge3A_368, %masked_sort3A_352, %rev3A_362 : vector<16xi1>, vector<16xf32>
      %select_n3A_370 = arith.select %ge3A_368, %masked_sort3A_353, %rev3A_367 : vector<16xi1>, vector<16xi32>
      %select_n3A_371 = arith.select %ge3A_368, %rev3A_362, %masked_sort3A_352 : vector<16xi1>, vector<16xf32>
      %select_n3A_372 = arith.select %ge3A_368, %rev3A_367, %masked_sort3A_353 : vector<16xi1>, vector<16xi32>
      %masked_sort3A_373 = arith.constant dense<true> : vector<16xi1>
      %masked_sort3A_374, %masked_sort3A_375, %masked_sort3A_376 = tpu.sort %select_n3A_369, %select_n3A_370 masked %masked_sort3A_373 {descending = true} : (vector<16xf32>, vector<16xi32>, vector<16xi1>) -> (vector<16xi1>, vector<16xf32>, vector<16xi32>)
      %masked_sort3A_377 = arith.constant dense<true> : vector<16xi1>
      %masked_sort3A_378, %masked_sort3A_379, %masked_sort3A_380 = tpu.sort %select_n3A_371, %select_n3A_372 masked %masked_sort3A_377 {descending = true} : (vector<16xf32>, vector<16xi32>, vector<16xi1>) -> (vector<16xi1>, vector<16xf32>, vector<16xi32>)
      %get3A_381 = arith.index_cast %rem3A_54 : i32 to index
      %get3A_382 = arith.constant 224 : index
      %get3A_383 = tpu.vector_load %arg5[%get3A_381, %get3A_382] {strides = array<i32>} : memref<2x512xf32, #tpu.memory_space<vmem>>, vector<16xf32>,
      %get3A_384 = arith.index_cast %rem3A_54 : i32 to index
      %get3A_385 = arith.constant 240 : index
      %get3A_386 = tpu.vector_load %arg5[%get3A_384, %get3A_385] {strides = array<i32>} : memref<2x512xf32, #tpu.memory_space<vmem>>, vector<16xf32>,
      %iota3A_387 = tpu.iota {dimensions = array<i32: 0>} : vector<16xi32>
      %add3A_388 = arith.constant 224 : i32
      %add3A_389 = vector.broadcast %add3A_388 : i32 to vector<16xi32>
      %add3A_390 = arith.addi %iota3A_387, %add3A_389 : vector<16xi32>
      %iota3A_391 = tpu.iota {dimensions = array<i32: 0>} : vector<16xi32>
      %add3A_392 = arith.constant 240 : i32
      %add3A_393 = vector.broadcast %add3A_392 : i32 to vector<16xi32>
      %add3A_394 = arith.addi %iota3A_391, %add3A_393 : vector<16xi32>
      %masked_sort3A_395 = arith.constant dense<true> : vector<16xi1>
      %masked_sort3A_396, %masked_sort3A_397, %masked_sort3A_398 = tpu.sort %get3A_383, %add3A_390 masked %masked_sort3A_395 {descending = true} : (vector<16xf32>, vector<16xi32>, vector<16xi1>) -> (vector<16xi1>, vector<16xf32>, vector<16xi32>)
      %masked_sort3A_399 = arith.constant dense<true> : vector<16xi1>
      %masked_sort3A_400, %masked_sort3A_401, %masked_sort3A_402 = tpu.sort %get3A_386, %add3A_394 masked %masked_sort3A_399 {descending = true} : (vector<16xf32>, vector<16xi32>, vector<16xi1>) -> (vector<16xi1>, vector<16xf32>, vector<16xi32>)
      %rev3A_403 = arith.constant 15 : i32
      %rev3A_404 = vector.broadcast %rev3A_403 : i32 to vector<16xi32>
      %rev3A_405 = tpu.iota {dimensions = array<i32: 0>} : vector<16xi32>
      %rev3A_406 = arith.subi %rev3A_404, %rev3A_405 : vector<16xi32>
      %rev3A_407 = tpu.dynamic_gather %masked_sort3A_401[%rev3A_406] in [0] : vector<16xf32>, vector<16xi32> -> vector<16xf32>
      %rev3A_408 = arith.constant 15 : i32
      %rev3A_409 = vector.broadcast %rev3A_408 : i32 to vector<16xi32>
      %rev3A_410 = tpu.iota {dimensions = array<i32: 0>} : vector<16xi32>
      %rev3A_411 = arith.subi %rev3A_409, %rev3A_410 : vector<16xi32>
      %rev3A_412 = tpu.dynamic_gather %masked_sort3A_402[%rev3A_411] in [0] : vector<16xi32>, vector<16xi32> -> vector<16xi32>
      %ge3A_413 = arith.cmpf oge, %masked_sort3A_397, %rev3A_407 : vector<16xf32>
      %select_n3A_414 = arith.select %ge3A_413, %masked_sort3A_397, %rev3A_407 : vector<16xi1>, vector<16xf32>
      %select_n3A_415 = arith.select %ge3A_413, %masked_sort3A_398, %rev3A_412 : vector<16xi1>, vector<16xi32>
      %select_n3A_416 = arith.select %ge3A_413, %rev3A_407, %masked_sort3A_397 : vector<16xi1>, vector<16xf32>
      %select_n3A_417 = arith.select %ge3A_413, %rev3A_412, %masked_sort3A_398 : vector<16xi1>, vector<16xi32>
      %masked_sort3A_418 = arith.constant dense<true> : vector<16xi1>
      %masked_sort3A_419, %masked_sort3A_420, %masked_sort3A_421 = tpu.sort %select_n3A_414, %select_n3A_415 masked %masked_sort3A_418 {descending = true} : (vector<16xf32>, vector<16xi32>, vector<16xi1>) -> (vector<16xi1>, vector<16xf32>, vector<16xi32>)
      %masked_sort3A_422 = arith.constant dense<true> : vector<16xi1>
      %masked_sort3A_423, %masked_sort3A_424, %masked_sort3A_425 = tpu.sort %select_n3A_416, %select_n3A_417 masked %masked_sort3A_422 {descending = true} : (vector<16xf32>, vector<16xi32>, vector<16xi1>) -> (vector<16xi1>, vector<16xf32>, vector<16xi32>)
      %get3A_426 = arith.index_cast %rem3A_54 : i32 to index
      %get3A_427 = arith.constant 256 : index
      %get3A_428 = tpu.vector_load %arg5[%get3A_426, %get3A_427] {strides = array<i32>} : memref<2x512xf32, #tpu.memory_space<vmem>>, vector<16xf32>,
      %get3A_429 = arith.index_cast %rem3A_54 : i32 to index
      %get3A_430 = arith.constant 272 : index
      %get3A_431 = tpu.vector_load %arg5[%get3A_429, %get3A_430] {strides = array<i32>} : memref<2x512xf32, #tpu.memory_space<vmem>>, vector<16xf32>,
      %iota3A_432 = tpu.iota {dimensions = array<i32: 0>} : vector<16xi32>
      %add3A_433 = arith.constant 256 : i32
      %add3A_434 = vector.broadcast %add3A_433 : i32 to vector<16xi32>
      %add3A_435 = arith.addi %iota3A_432, %add3A_434 : vector<16xi32>
      %iota3A_436 = tpu.iota {dimensions = array<i32: 0>} : vector<16xi32>
      %add3A_437 = arith.constant 272 : i32
      %add3A_438 = vector.broadcast %add3A_437 : i32 to vector<16xi32>
      %add3A_439 = arith.addi %iota3A_436, %add3A_438 : vector<16xi32>
      %masked_sort3A_440 = arith.constant dense<true> : vector<16xi1>
      %masked_sort3A_441, %masked_sort3A_442, %masked_sort3A_443 = tpu.sort %get3A_428, %add3A_435 masked %masked_sort3A_440 {descending = true} : (vector<16xf32>, vector<16xi32>, vector<16xi1>) -> (vector<16xi1>, vector<16xf32>, vector<16xi32>)
      %masked_sort3A_444 = arith.constant dense<true> : vector<16xi1>
      %masked_sort3A_445, %masked_sort3A_446, %masked_sort3A_447 = tpu.sort %get3A_431, %add3A_439 masked %masked_sort3A_444 {descending = true} : (vector<16xf32>, vector<16xi32>, vector<16xi1>) -> (vector<16xi1>, vector<16xf32>, vector<16xi32>)
      %rev3A_448 = arith.constant 15 : i32
      %rev3A_449 = vector.broadcast %rev3A_448 : i32 to vector<16xi32>
      %rev3A_450 = tpu.iota {dimensions = array<i32: 0>} : vector<16xi32>
      %rev3A_451 = arith.subi %rev3A_449, %rev3A_450 : vector<16xi32>
      %rev3A_452 = tpu.dynamic_gather %masked_sort3A_446[%rev3A_451] in [0] : vector<16xf32>, vector<16xi32> -> vector<16xf32>
      %rev3A_453 = arith.constant 15 : i32
      %rev3A_454 = vector.broadcast %rev3A_453 : i32 to vector<16xi32>
      %rev3A_455 = tpu.iota {dimensions = array<i32: 0>} : vector<16xi32>
      %rev3A_456 = arith.subi %rev3A_454, %rev3A_455 : vector<16xi32>
      %rev3A_457 = tpu.dynamic_gather %masked_sort3A_447[%rev3A_456] in [0] : vector<16xi32>, vector<16xi32> -> vector<16xi32>
      %ge3A_458 = arith.cmpf oge, %masked_sort3A_442, %rev3A_452 : vector<16xf32>
      %select_n3A_459 = arith.select %ge3A_458, %masked_sort3A_442, %rev3A_452 : vector<16xi1>, vector<16xf32>
      %select_n3A_460 = arith.select %ge3A_458, %masked_sort3A_443, %rev3A_457 : vector<16xi1>, vector<16xi32>
      %select_n3A_461 = arith.select %ge3A_458, %rev3A_452, %masked_sort3A_442 : vector<16xi1>, vector<16xf32>
      %select_n3A_462 = arith.select %ge3A_458, %rev3A_457, %masked_sort3A_443 : vector<16xi1>, vector<16xi32>
      %masked_sort3A_463 = arith.constant dense<true> : vector<16xi1>
      %masked_sort3A_464, %masked_sort3A_465, %masked_sort3A_466 = tpu.sort %select_n3A_459, %select_n3A_460 masked %masked_sort3A_463 {descending = true} : (vector<16xf32>, vector<16xi32>, vector<16xi1>) -> (vector<16xi1>, vector<16xf32>, vector<16xi32>)
      %masked_sort3A_467 = arith.constant dense<true> : vector<16xi1>
      %masked_sort3A_468, %masked_sort3A_469, %masked_sort3A_470 = tpu.sort %select_n3A_461, %select_n3A_462 masked %masked_sort3A_467 {descending = true} : (vector<16xf32>, vector<16xi32>, vector<16xi1>) -> (vector<16xi1>, vector<16xf32>, vector<16xi32>)
      %get3A_471 = arith.index_cast %rem3A_54 : i32 to index
      %get3A_472 = arith.constant 288 : index
      %get3A_473 = tpu.vector_load %arg5[%get3A_471, %get3A_472] {strides = array<i32>} : memref<2x512xf32, #tpu.memory_space<vmem>>, vector<16xf32>,
      %get3A_474 = arith.index_cast %rem3A_54 : i32 to index
      %get3A_475 = arith.constant 304 : index
      %get3A_476 = tpu.vector_load %arg5[%get3A_474, %get3A_475] {strides = array<i32>} : memref<2x512xf32, #tpu.memory_space<vmem>>, vector<16xf32>,
      %iota3A_477 = tpu.iota {dimensions = array<i32: 0>} : vector<16xi32>
      %add3A_478 = arith.constant 288 : i32
      %add3A_479 = vector.broadcast %add3A_478 : i32 to vector<16xi32>
      %add3A_480 = arith.addi %iota3A_477, %add3A_479 : vector<16xi32>
      %iota3A_481 = tpu.iota {dimensions = array<i32: 0>} : vector<16xi32>
      %add3A_482 = arith.constant 304 : i32
      %add3A_483 = vector.broadcast %add3A_482 : i32 to vector<16xi32>
      %add3A_484 = arith.addi %iota3A_481, %add3A_483 : vector<16xi32>
      %masked_sort3A_485 = arith.constant dense<true> : vector<16xi1>
      %masked_sort3A_486, %masked_sort3A_487, %masked_sort3A_488 = tpu.sort %get3A_473, %add3A_480 masked %masked_sort3A_485 {descending = true} : (vector<16xf32>, vector<16xi32>, vector<16xi1>) -> (vector<16xi1>, vector<16xf32>, vector<16xi32>)
      %masked_sort3A_489 = arith.constant dense<true> : vector<16xi1>
      %masked_sort3A_490, %masked_sort3A_491, %masked_sort3A_492 = tpu.sort %get3A_476, %add3A_484 masked %masked_sort3A_489 {descending = true} : (vector<16xf32>, vector<16xi32>, vector<16xi1>) -> (vector<16xi1>, vector<16xf32>, vector<16xi32>)
      %rev3A_493 = arith.constant 15 : i32
      %rev3A_494 = vector.broadcast %rev3A_493 : i32 to vector<16xi32>
      %rev3A_495 = tpu.iota {dimensions = array<i32: 0>} : vector<16xi32>
      %rev3A_496 = arith.subi %rev3A_494, %rev3A_495 : vector<16xi32>
      %rev3A_497 = tpu.dynamic_gather %masked_sort3A_491[%rev3A_496] in [0] : vector<16xf32>, vector<16xi32> -> vector<16xf32>
      %rev3A_498 = arith.constant 15 : i32
      %rev3A_499 = vector.broadcast %rev3A_498 : i32 to vector<16xi32>
      %rev3A_500 = tpu.iota {dimensions = array<i32: 0>} : vector<16xi32>
      %rev3A_501 = arith.subi %rev3A_499, %rev3A_500 : vector<16xi32>
      %rev3A_502 = tpu.dynamic_gather %masked_sort3A_492[%rev3A_501] in [0] : vector<16xi32>, vector<16xi32> -> vector<16xi32>
      %ge3A_503 = arith.cmpf oge, %masked_sort3A_487, %rev3A_497 : vector<16xf32>
      %select_n3A_504 = arith.select %ge3A_503, %masked_sort3A_487, %rev3A_497 : vector<16xi1>, vector<16xf32>
      %select_n3A_505 = arith.select %ge3A_503, %masked_sort3A_488, %rev3A_502 : vector<16xi1>, vector<16xi32>
      %select_n3A_506 = arith.select %ge3A_503, %rev3A_497, %masked_sort3A_487 : vector<16xi1>, vector<16xf32>
      %select_n3A_507 = arith.select %ge3A_503, %rev3A_502, %masked_sort3A_488 : vector<16xi1>, vector<16xi32>
      %masked_sort3A_508 = arith.constant dense<true> : vector<16xi1>
      %masked_sort3A_509, %masked_sort3A_510, %masked_sort3A_511 = tpu.sort %select_n3A_504, %select_n3A_505 masked %masked_sort3A_508 {descending = true} : (vector<16xf32>, vector<16xi32>, vector<16xi1>) -> (vector<16xi1>, vector<16xf32>, vector<16xi32>)
      %masked_sort3A_512 = arith.constant dense<true> : vector<16xi1>
      %masked_sort3A_513, %masked_sort3A_514, %masked_sort3A_515 = tpu.sort %select_n3A_506, %select_n3A_507 masked %masked_sort3A_512 {descending = true} : (vector<16xf32>, vector<16xi32>, vector<16xi1>) -> (vector<16xi1>, vector<16xf32>, vector<16xi32>)
      %get3A_516 = arith.index_cast %rem3A_54 : i32 to index
      %get3A_517 = arith.constant 320 : index
      %get3A_518 = tpu.vector_load %arg5[%get3A_516, %get3A_517] {strides = array<i32>} : memref<2x512xf32, #tpu.memory_space<vmem>>, vector<16xf32>,
      %get3A_519 = arith.index_cast %rem3A_54 : i32 to index
      %get3A_520 = arith.constant 336 : index
      %get3A_521 = tpu.vector_load %arg5[%get3A_519, %get3A_520] {strides = array<i32>} : memref<2x512xf32, #tpu.memory_space<vmem>>, vector<16xf32>,
      %iota3A_522 = tpu.iota {dimensions = array<i32: 0>} : vector<16xi32>
      %add3A_523 = arith.constant 320 : i32
      %add3A_524 = vector.broadcast %add3A_523 : i32 to vector<16xi32>
      %add3A_525 = arith.addi %iota3A_522, %add3A_524 : vector<16xi32>
      %iota3A_526 = tpu.iota {dimensions = array<i32: 0>} : vector<16xi32>
      %add3A_527 = arith.constant 336 : i32
      %add3A_528 = vector.broadcast %add3A_527 : i32 to vector<16xi32>
      %add3A_529 = arith.addi %iota3A_526, %add3A_528 : vector<16xi32>
      %masked_sort3A_530 = arith.constant dense<true> : vector<16xi1>
      %masked_sort3A_531, %masked_sort3A_532, %masked_sort3A_533 = tpu.sort %get3A_518, %add3A_525 masked %masked_sort3A_530 {descending = true} : (vector<16xf32>, vector<16xi32>, vector<16xi1>) -> (vector<16xi1>, vector<16xf32>, vector<16xi32>)
      %masked_sort3A_534 = arith.constant dense<true> : vector<16xi1>
      %masked_sort3A_535, %masked_sort3A_536, %masked_sort3A_537 = tpu.sort %get3A_521, %add3A_529 masked %masked_sort3A_534 {descending = true} : (vector<16xf32>, vector<16xi32>, vector<16xi1>) -> (vector<16xi1>, vector<16xf32>, vector<16xi32>)
      %rev3A_538 = arith.constant 15 : i32
      %rev3A_539 = vector.broadcast %rev3A_538 : i32 to vector<16xi32>
      %rev3A_540 = tpu.iota {dimensions = array<i32: 0>} : vector<16xi32>
      %rev3A_541 = arith.subi %rev3A_539, %rev3A_540 : vector<16xi32>
      %rev3A_542 = tpu.dynamic_gather %masked_sort3A_536[%rev3A_541] in [0] : vector<16xf32>, vector<16xi32> -> vector<16xf32>
      %rev3A_543 = arith.constant 15 : i32
      %rev3A_544 = vector.broadcast %rev3A_543 : i32 to vector<16xi32>
      %rev3A_545 = tpu.iota {dimensions = array<i32: 0>} : vector<16xi32>
      %rev3A_546 = arith.subi %rev3A_544, %rev3A_545 : vector<16xi32>
      %rev3A_547 = tpu.dynamic_gather %masked_sort3A_537[%rev3A_546] in [0] : vector<16xi32>, vector<16xi32> -> vector<16xi32>
      %ge3A_548 = arith.cmpf oge, %masked_sort3A_532, %rev3A_542 : vector<16xf32>
      %select_n3A_549 = arith.select %ge3A_548, %masked_sort3A_532, %rev3A_542 : vector<16xi1>, vector<16xf32>
      %select_n3A_550 = arith.select %ge3A_548, %masked_sort3A_533, %rev3A_547 : vector<16xi1>, vector<16xi32>
      %select_n3A_551 = arith.select %ge3A_548, %rev3A_542, %masked_sort3A_532 : vector<16xi1>, vector<16xf32>
      %select_n3A_552 = arith.select %ge3A_548, %rev3A_547, %masked_sort3A_533 : vector<16xi1>, vector<16xi32>
      %masked_sort3A_553 = arith.constant dense<true> : vector<16xi1>
      %masked_sort3A_554, %masked_sort3A_555, %masked_sort3A_556 = tpu.sort %select_n3A_549, %select_n3A_550 masked %masked_sort3A_553 {descending = true} : (vector<16xf32>, vector<16xi32>, vector<16xi1>) -> (vector<16xi1>, vector<16xf32>, vector<16xi32>)
      %masked_sort3A_557 = arith.constant dense<true> : vector<16xi1>
      %masked_sort3A_558, %masked_sort3A_559, %masked_sort3A_560 = tpu.sort %select_n3A_551, %select_n3A_552 masked %masked_sort3A_557 {descending = true} : (vector<16xf32>, vector<16xi32>, vector<16xi1>) -> (vector<16xi1>, vector<16xf32>, vector<16xi32>)
      %get3A_561 = arith.index_cast %rem3A_54 : i32 to index
      %get3A_562 = arith.constant 352 : index
      %get3A_563 = tpu.vector_load %arg5[%get3A_561, %get3A_562] {strides = array<i32>} : memref<2x512xf32, #tpu.memory_space<vmem>>, vector<16xf32>,
      %get3A_564 = arith.index_cast %rem3A_54 : i32 to index
      %get3A_565 = arith.constant 368 : index
      %get3A_566 = tpu.vector_load %arg5[%get3A_564, %get3A_565] {strides = array<i32>} : memref<2x512xf32, #tpu.memory_space<vmem>>, vector<16xf32>,
      %iota3A_567 = tpu.iota {dimensions = array<i32: 0>} : vector<16xi32>
      %add3A_568 = arith.constant 352 : i32
      %add3A_569 = vector.broadcast %add3A_568 : i32 to vector<16xi32>
      %add3A_570 = arith.addi %iota3A_567, %add3A_569 : vector<16xi32>
      %iota3A_571 = tpu.iota {dimensions = array<i32: 0>} : vector<16xi32>
      %add3A_572 = arith.constant 368 : i32
      %add3A_573 = vector.broadcast %add3A_572 : i32 to vector<16xi32>
      %add3A_574 = arith.addi %iota3A_571, %add3A_573 : vector<16xi32>
      %masked_sort3A_575 = arith.constant dense<true> : vector<16xi1>
      %masked_sort3A_576, %masked_sort3A_577, %masked_sort3A_578 = tpu.sort %get3A_563, %add3A_570 masked %masked_sort3A_575 {descending = true} : (vector<16xf32>, vector<16xi32>, vector<16xi1>) -> (vector<16xi1>, vector<16xf32>, vector<16xi32>)
      %masked_sort3A_579 = arith.constant dense<true> : vector<16xi1>
      %masked_sort3A_580, %masked_sort3A_581, %masked_sort3A_582 = tpu.sort %get3A_566, %add3A_574 masked %masked_sort3A_579 {descending = true} : (vector<16xf32>, vector<16xi32>, vector<16xi1>) -> (vector<16xi1>, vector<16xf32>, vector<16xi32>)
      %rev3A_583 = arith.constant 15 : i32
      %rev3A_584 = vector.broadcast %rev3A_583 : i32 to vector<16xi32>
      %rev3A_585 = tpu.iota {dimensions = array<i32: 0>} : vector<16xi32>
      %rev3A_586 = arith.subi %rev3A_584, %rev3A_585 : vector<16xi32>
      %rev3A_587 = tpu.dynamic_gather %masked_sort3A_581[%rev3A_586] in [0] : vector<16xf32>, vector<16xi32> -> vector<16xf32>
      %rev3A_588 = arith.constant 15 : i32
      %rev3A_589 = vector.broadcast %rev3A_588 : i32 to vector<16xi32>
      %rev3A_590 = tpu.iota {dimensions = array<i32: 0>} : vector<16xi32>
      %rev3A_591 = arith.subi %rev3A_589, %rev3A_590 : vector<16xi32>
      %rev3A_592 = tpu.dynamic_gather %masked_sort3A_582[%rev3A_591] in [0] : vector<16xi32>, vector<16xi32> -> vector<16xi32>
      %ge3A_593 = arith.cmpf oge, %masked_sort3A_577, %rev3A_587 : vector<16xf32>
      %select_n3A_594 = arith.select %ge3A_593, %masked_sort3A_577, %rev3A_587 : vector<16xi1>, vector<16xf32>
      %select_n3A_595 = arith.select %ge3A_593, %masked_sort3A_578, %rev3A_592 : vector<16xi1>, vector<16xi32>
      %select_n3A_596 = arith.select %ge3A_593, %rev3A_587, %masked_sort3A_577 : vector<16xi1>, vector<16xf32>
      %select_n3A_597 = arith.select %ge3A_593, %rev3A_592, %masked_sort3A_578 : vector<16xi1>, vector<16xi32>
      %masked_sort3A_598 = arith.constant dense<true> : vector<16xi1>
      %masked_sort3A_599, %masked_sort3A_600, %masked_sort3A_601 = tpu.sort %select_n3A_594, %select_n3A_595 masked %masked_sort3A_598 {descending = true} : (vector<16xf32>, vector<16xi32>, vector<16xi1>) -> (vector<16xi1>, vector<16xf32>, vector<16xi32>)
      %masked_sort3A_602 = arith.constant dense<true> : vector<16xi1>
      %masked_sort3A_603, %masked_sort3A_604, %masked_sort3A_605 = tpu.sort %select_n3A_596, %select_n3A_597 masked %masked_sort3A_602 {descending = true} : (vector<16xf32>, vector<16xi32>, vector<16xi1>) -> (vector<16xi1>, vector<16xf32>, vector<16xi32>)
      %get3A_606 = arith.index_cast %rem3A_54 : i32 to index
      %get3A_607 = arith.constant 384 : index
      %get3A_608 = tpu.vector_load %arg5[%get3A_606, %get3A_607] {strides = array<i32>} : memref<2x512xf32, #tpu.memory_space<vmem>>, vector<16xf32>,
      %get3A_609 = arith.index_cast %rem3A_54 : i32 to index
      %get3A_610 = arith.constant 400 : index
      %get3A_611 = tpu.vector_load %arg5[%get3A_609, %get3A_610] {strides = array<i32>} : memref<2x512xf32, #tpu.memory_space<vmem>>, vector<16xf32>,
      %iota3A_612 = tpu.iota {dimensions = array<i32: 0>} : vector<16xi32>
      %add3A_613 = arith.constant 384 : i32
      %add3A_614 = vector.broadcast %add3A_613 : i32 to vector<16xi32>
      %add3A_615 = arith.addi %iota3A_612, %add3A_614 : vector<16xi32>
      %iota3A_616 = tpu.iota {dimensions = array<i32: 0>} : vector<16xi32>
      %add3A_617 = arith.constant 400 : i32
      %add3A_618 = vector.broadcast %add3A_617 : i32 to vector<16xi32>
      %add3A_619 = arith.addi %iota3A_616, %add3A_618 : vector<16xi32>
      %masked_sort3A_620 = arith.constant dense<true> : vector<16xi1>
      %masked_sort3A_621, %masked_sort3A_622, %masked_sort3A_623 = tpu.sort %get3A_608, %add3A_615 masked %masked_sort3A_620 {descending = true} : (vector<16xf32>, vector<16xi32>, vector<16xi1>) -> (vector<16xi1>, vector<16xf32>, vector<16xi32>)
      %masked_sort3A_624 = arith.constant dense<true> : vector<16xi1>
      %masked_sort3A_625, %masked_sort3A_626, %masked_sort3A_627 = tpu.sort %get3A_611, %add3A_619 masked %masked_sort3A_624 {descending = true} : (vector<16xf32>, vector<16xi32>, vector<16xi1>) -> (vector<16xi1>, vector<16xf32>, vector<16xi32>)
      %rev3A_628 = arith.constant 15 : i32
      %rev3A_629 = vector.broadcast %rev3A_628 : i32 to vector<16xi32>
      %rev3A_630 = tpu.iota {dimensions = array<i32: 0>} : vector<16xi32>
      %rev3A_631 = arith.subi %rev3A_629, %rev3A_630 : vector<16xi32>
      %rev3A_632 = tpu.dynamic_gather %masked_sort3A_626[%rev3A_631] in [0] : vector<16xf32>, vector<16xi32> -> vector<16xf32>
      %rev3A_633 = arith.constant 15 : i32
      %rev3A_634 = vector.broadcast %rev3A_633 : i32 to vector<16xi32>
      %rev3A_635 = tpu.iota {dimensions = array<i32: 0>} : vector<16xi32>
      %rev3A_636 = arith.subi %rev3A_634, %rev3A_635 : vector<16xi32>
      %rev3A_637 = tpu.dynamic_gather %masked_sort3A_627[%rev3A_636] in [0] : vector<16xi32>, vector<16xi32> -> vector<16xi32>
      %ge3A_638 = arith.cmpf oge, %masked_sort3A_622, %rev3A_632 : vector<16xf32>
      %select_n3A_639 = arith.select %ge3A_638, %masked_sort3A_622, %rev3A_632 : vector<16xi1>, vector<16xf32>
      %select_n3A_640 = arith.select %ge3A_638, %masked_sort3A_623, %rev3A_637 : vector<16xi1>, vector<16xi32>
      %select_n3A_641 = arith.select %ge3A_638, %rev3A_632, %masked_sort3A_622 : vector<16xi1>, vector<16xf32>
      %select_n3A_642 = arith.select %ge3A_638, %rev3A_637, %masked_sort3A_623 : vector<16xi1>, vector<16xi32>
      %masked_sort3A_643 = arith.constant dense<true> : vector<16xi1>
      %masked_sort3A_644, %masked_sort3A_645, %masked_sort3A_646 = tpu.sort %select_n3A_639, %select_n3A_640 masked %masked_sort3A_643 {descending = true} : (vector<16xf32>, vector<16xi32>, vector<16xi1>) -> (vector<16xi1>, vector<16xf32>, vector<16xi32>)
      %masked_sort3A_647 = arith.constant dense<true> : vector<16xi1>
      %masked_sort3A_648, %masked_sort3A_649, %masked_sort3A_650 = tpu.sort %select_n3A_641, %select_n3A_642 masked %masked_sort3A_647 {descending = true} : (vector<16xf32>, vector<16xi32>, vector<16xi1>) -> (vector<16xi1>, vector<16xf32>, vector<16xi32>)
      %get3A_651 = arith.index_cast %rem3A_54 : i32 to index
      %get3A_652 = arith.constant 416 : index
      %get3A_653 = tpu.vector_load %arg5[%get3A_651, %get3A_652] {strides = array<i32>} : memref<2x512xf32, #tpu.memory_space<vmem>>, vector<16xf32>,
      %get3A_654 = arith.index_cast %rem3A_54 : i32 to index
      %get3A_655 = arith.constant 432 : index
      %get3A_656 = tpu.vector_load %arg5[%get3A_654, %get3A_655] {strides = array<i32>} : memref<2x512xf32, #tpu.memory_space<vmem>>, vector<16xf32>,
      %iota3A_657 = tpu.iota {dimensions = array<i32: 0>} : vector<16xi32>
      %add3A_658 = arith.constant 416 : i32
      %add3A_659 = vector.broadcast %add3A_658 : i32 to vector<16xi32>
      %add3A_660 = arith.addi %iota3A_657, %add3A_659 : vector<16xi32>
      %iota3A_661 = tpu.iota {dimensions = array<i32: 0>} : vector<16xi32>
      %add3A_662 = arith.constant 432 : i32
      %add3A_663 = vector.broadcast %add3A_662 : i32 to vector<16xi32>
      %add3A_664 = arith.addi %iota3A_661, %add3A_663 : vector<16xi32>
      %masked_sort3A_665 = arith.constant dense<true> : vector<16xi1>
      %masked_sort3A_666, %masked_sort3A_667, %masked_sort3A_668 = tpu.sort %get3A_653, %add3A_660 masked %masked_sort3A_665 {descending = true} : (vector<16xf32>, vector<16xi32>, vector<16xi1>) -> (vector<16xi1>, vector<16xf32>, vector<16xi32>)
      %masked_sort3A_669 = arith.constant dense<true> : vector<16xi1>
      %masked_sort3A_670, %masked_sort3A_671, %masked_sort3A_672 = tpu.sort %get3A_656, %add3A_664 masked %masked_sort3A_669 {descending = true} : (vector<16xf32>, vector<16xi32>, vector<16xi1>) -> (vector<16xi1>, vector<16xf32>, vector<16xi32>)
      %rev3A_673 = arith.constant 15 : i32
      %rev3A_674 = vector.broadcast %rev3A_673 : i32 to vector<16xi32>
      %rev3A_675 = tpu.iota {dimensions = array<i32: 0>} : vector<16xi32>
      %rev3A_676 = arith.subi %rev3A_674, %rev3A_675 : vector<16xi32>
      %rev3A_677 = tpu.dynamic_gather %masked_sort3A_671[%rev3A_676] in [0] : vector<16xf32>, vector<16xi32> -> vector<16xf32>
      %rev3A_678 = arith.constant 15 : i32
      %rev3A_679 = vector.broadcast %rev3A_678 : i32 to vector<16xi32>
      %rev3A_680 = tpu.iota {dimensions = array<i32: 0>} : vector<16xi32>
      %rev3A_681 = arith.subi %rev3A_679, %rev3A_680 : vector<16xi32>
      %rev3A_682 = tpu.dynamic_gather %masked_sort3A_672[%rev3A_681] in [0] : vector<16xi32>, vector<16xi32> -> vector<16xi32>
      %ge3A_683 = arith.cmpf oge, %masked_sort3A_667, %rev3A_677 : vector<16xf32>
      %select_n3A_684 = arith.select %ge3A_683, %masked_sort3A_667, %rev3A_677 : vector<16xi1>, vector<16xf32>
      %select_n3A_685 = arith.select %ge3A_683, %masked_sort3A_668, %rev3A_682 : vector<16xi1>, vector<16xi32>
      %select_n3A_686 = arith.select %ge3A_683, %rev3A_677, %masked_sort3A_667 : vector<16xi1>, vector<16xf32>
      %select_n3A_687 = arith.select %ge3A_683, %rev3A_682, %masked_sort3A_668 : vector<16xi1>, vector<16xi32>
      %masked_sort3A_688 = arith.constant dense<true> : vector<16xi1>
      %masked_sort3A_689, %masked_sort3A_690, %masked_sort3A_691 = tpu.sort %select_n3A_684, %select_n3A_685 masked %masked_sort3A_688 {descending = true} : (vector<16xf32>, vector<16xi32>, vector<16xi1>) -> (vector<16xi1>, vector<16xf32>, vector<16xi32>)
      %masked_sort3A_692 = arith.constant dense<true> : vector<16xi1>
      %masked_sort3A_693, %masked_sort3A_694, %masked_sort3A_695 = tpu.sort %select_n3A_686, %select_n3A_687 masked %masked_sort3A_692 {descending = true} : (vector<16xf32>, vector<16xi32>, vector<16xi1>) -> (vector<16xi1>, vector<16xf32>, vector<16xi32>)
      %get3A_696 = arith.index_cast %rem3A_54 : i32 to index
      %get3A_697 = arith.constant 448 : index
      %get3A_698 = tpu.vector_load %arg5[%get3A_696, %get3A_697] {strides = array<i32>} : memref<2x512xf32, #tpu.memory_space<vmem>>, vector<16xf32>,
      %get3A_699 = arith.index_cast %rem3A_54 : i32 to index
      %get3A_700 = arith.constant 464 : index
      %get3A_701 = tpu.vector_load %arg5[%get3A_699, %get3A_700] {strides = array<i32>} : memref<2x512xf32, #tpu.memory_space<vmem>>, vector<16xf32>,
      %iota3A_702 = tpu.iota {dimensions = array<i32: 0>} : vector<16xi32>
      %add3A_703 = arith.constant 448 : i32
      %add3A_704 = vector.broadcast %add3A_703 : i32 to vector<16xi32>
      %add3A_705 = arith.addi %iota3A_702, %add3A_704 : vector<16xi32>
      %iota3A_706 = tpu.iota {dimensions = array<i32: 0>} : vector<16xi32>
      %add3A_707 = arith.constant 464 : i32
      %add3A_708 = vector.broadcast %add3A_707 : i32 to vector<16xi32>
      %add3A_709 = arith.addi %iota3A_706, %add3A_708 : vector<16xi32>
      %masked_sort3A_710 = arith.constant dense<true> : vector<16xi1>
      %masked_sort3A_711, %masked_sort3A_712, %masked_sort3A_713 = tpu.sort %get3A_698, %add3A_705 masked %masked_sort3A_710 {descending = true} : (vector<16xf32>, vector<16xi32>, vector<16xi1>) -> (vector<16xi1>, vector<16xf32>, vector<16xi32>)
      %masked_sort3A_714 = arith.constant dense<true> : vector<16xi1>
      %masked_sort3A_715, %masked_sort3A_716, %masked_sort3A_717 = tpu.sort %get3A_701, %add3A_709 masked %masked_sort3A_714 {descending = true} : (vector<16xf32>, vector<16xi32>, vector<16xi1>) -> (vector<16xi1>, vector<16xf32>, vector<16xi32>)
      %rev3A_718 = arith.constant 15 : i32
      %rev3A_719 = vector.broadcast %rev3A_718 : i32 to vector<16xi32>
      %rev3A_720 = tpu.iota {dimensions = array<i32: 0>} : vector<16xi32>
      %rev3A_721 = arith.subi %rev3A_719, %rev3A_720 : vector<16xi32>
      %rev3A_722 = tpu.dynamic_gather %masked_sort3A_716[%rev3A_721] in [0] : vector<16xf32>, vector<16xi32> -> vector<16xf32>
      %rev3A_723 = arith.constant 15 : i32
      %rev3A_724 = vector.broadcast %rev3A_723 : i32 to vector<16xi32>
      %rev3A_725 = tpu.iota {dimensions = array<i32: 0>} : vector<16xi32>
      %rev3A_726 = arith.subi %rev3A_724, %rev3A_725 : vector<16xi32>
      %rev3A_727 = tpu.dynamic_gather %masked_sort3A_717[%rev3A_726] in [0] : vector<16xi32>, vector<16xi32> -> vector<16xi32>
      %ge3A_728 = arith.cmpf oge, %masked_sort3A_712, %rev3A_722 : vector<16xf32>
      %select_n3A_729 = arith.select %ge3A_728, %masked_sort3A_712, %rev3A_722 : vector<16xi1>, vector<16xf32>
      %select_n3A_730 = arith.select %ge3A_728, %masked_sort3A_713, %rev3A_727 : vector<16xi1>, vector<16xi32>
      %select_n3A_731 = arith.select %ge3A_728, %rev3A_722, %masked_sort3A_712 : vector<16xi1>, vector<16xf32>
      %select_n3A_732 = arith.select %ge3A_728, %rev3A_727, %masked_sort3A_713 : vector<16xi1>, vector<16xi32>
      %masked_sort3A_733 = arith.constant dense<true> : vector<16xi1>
      %masked_sort3A_734, %masked_sort3A_735, %masked_sort3A_736 = tpu.sort %select_n3A_729, %select_n3A_730 masked %masked_sort3A_733 {descending = true} : (vector<16xf32>, vector<16xi32>, vector<16xi1>) -> (vector<16xi1>, vector<16xf32>, vector<16xi32>)
      %masked_sort3A_737 = arith.constant dense<true> : vector<16xi1>
      %masked_sort3A_738, %masked_sort3A_739, %masked_sort3A_740 = tpu.sort %select_n3A_731, %select_n3A_732 masked %masked_sort3A_737 {descending = true} : (vector<16xf32>, vector<16xi32>, vector<16xi1>) -> (vector<16xi1>, vector<16xf32>, vector<16xi32>)
      %get3A_741 = arith.index_cast %rem3A_54 : i32 to index
      %get3A_742 = arith.constant 480 : index
      %get3A_743 = tpu.vector_load %arg5[%get3A_741, %get3A_742] {strides = array<i32>} : memref<2x512xf32, #tpu.memory_space<vmem>>, vector<16xf32>,
      %get3A_744 = arith.index_cast %rem3A_54 : i32 to index
      %get3A_745 = arith.constant 496 : index
      %get3A_746 = tpu.vector_load %arg5[%get3A_744, %get3A_745] {strides = array<i32>} : memref<2x512xf32, #tpu.memory_space<vmem>>, vector<16xf32>,
      %iota3A_747 = tpu.iota {dimensions = array<i32: 0>} : vector<16xi32>
      %add3A_748 = arith.constant 480 : i32
      %add3A_749 = vector.broadcast %add3A_748 : i32 to vector<16xi32>
      %add3A_750 = arith.addi %iota3A_747, %add3A_749 : vector<16xi32>
      %iota3A_751 = tpu.iota {dimensions = array<i32: 0>} : vector<16xi32>
      %add3A_752 = arith.constant 496 : i32
      %add3A_753 = vector.broadcast %add3A_752 : i32 to vector<16xi32>
      %add3A_754 = arith.addi %iota3A_751, %add3A_753 : vector<16xi32>
      %masked_sort3A_755 = arith.constant dense<true> : vector<16xi1>
      %masked_sort3A_756, %masked_sort3A_757, %masked_sort3A_758 = tpu.sort %get3A_743, %add3A_750 masked %masked_sort3A_755 {descending = true} : (vector<16xf32>, vector<16xi32>, vector<16xi1>) -> (vector<16xi1>, vector<16xf32>, vector<16xi32>)
      %masked_sort3A_759 = arith.constant dense<true> : vector<16xi1>
      %masked_sort3A_760, %masked_sort3A_761, %masked_sort3A_762 = tpu.sort %get3A_746, %add3A_754 masked %masked_sort3A_759 {descending = true} : (vector<16xf32>, vector<16xi32>, vector<16xi1>) -> (vector<16xi1>, vector<16xf32>, vector<16xi32>)
      %rev3A_763 = arith.constant 15 : i32
      %rev3A_764 = vector.broadcast %rev3A_763 : i32 to vector<16xi32>
      %rev3A_765 = tpu.iota {dimensions = array<i32: 0>} : vector<16xi32>
      %rev3A_766 = arith.subi %rev3A_764, %rev3A_765 : vector<16xi32>
      %rev3A_767 = tpu.dynamic_gather %masked_sort3A_761[%rev3A_766] in [0] : vector<16xf32>, vector<16xi32> -> vector<16xf32>
      %rev3A_768 = arith.constant 15 : i32
      %rev3A_769 = vector.broadcast %rev3A_768 : i32 to vector<16xi32>
      %rev3A_770 = tpu.iota {dimensions = array<i32: 0>} : vector<16xi32>
      %rev3A_771 = arith.subi %rev3A_769, %rev3A_770 : vector<16xi32>
      %rev3A_772 = tpu.dynamic_gather %masked_sort3A_762[%rev3A_771] in [0] : vector<16xi32>, vector<16xi32> -> vector<16xi32>
      %ge3A_773 = arith.cmpf oge, %masked_sort3A_757, %rev3A_767 : vector<16xf32>
      %select_n3A_774 = arith.select %ge3A_773, %masked_sort3A_757, %rev3A_767 : vector<16xi1>, vector<16xf32>
      %select_n3A_775 = arith.select %ge3A_773, %masked_sort3A_758, %rev3A_772 : vector<16xi1>, vector<16xi32>
      %select_n3A_776 = arith.select %ge3A_773, %rev3A_767, %masked_sort3A_757 : vector<16xi1>, vector<16xf32>
      %select_n3A_777 = arith.select %ge3A_773, %rev3A_772, %masked_sort3A_758 : vector<16xi1>, vector<16xi32>
      %masked_sort3A_778 = arith.constant dense<true> : vector<16xi1>
      %masked_sort3A_779, %masked_sort3A_780, %masked_sort3A_781 = tpu.sort %select_n3A_774, %select_n3A_775 masked %masked_sort3A_778 {descending = true} : (vector<16xf32>, vector<16xi32>, vector<16xi1>) -> (vector<16xi1>, vector<16xf32>, vector<16xi32>)
      %masked_sort3A_782 = arith.constant dense<true> : vector<16xi1>
      %masked_sort3A_783, %masked_sort3A_784, %masked_sort3A_785 = tpu.sort %select_n3A_776, %select_n3A_777 masked %masked_sort3A_782 {descending = true} : (vector<16xf32>, vector<16xi32>, vector<16xi1>) -> (vector<16xi1>, vector<16xf32>, vector<16xi32>)
      %rev3A_786 = arith.constant 15 : i32
      %rev3A_787 = vector.broadcast %rev3A_786 : i32 to vector<16xi32>
      %rev3A_788 = tpu.iota {dimensions = array<i32: 0>} : vector<16xi32>
      %rev3A_789 = arith.subi %rev3A_787, %rev3A_788 : vector<16xi32>
      %rev3A_790 = tpu.dynamic_gather %masked_sort3A_154[%rev3A_789] in [0] : vector<16xf32>, vector<16xi32> -> vector<16xf32>
      %rev3A_791 = arith.constant 15 : i32
      %rev3A_792 = vector.broadcast %rev3A_791 : i32 to vector<16xi32>
      %rev3A_793 = tpu.iota {dimensions = array<i32: 0>} : vector<16xi32>
      %rev3A_794 = arith.subi %rev3A_792, %rev3A_793 : vector<16xi32>
      %rev3A_795 = tpu.dynamic_gather %masked_sort3A_155[%rev3A_794] in [0] : vector<16xi32>, vector<16xi32> -> vector<16xi32>
      %ge3A_796 = arith.cmpf oge, %masked_sort3A_105, %rev3A_790 : vector<16xf32>
      %select_n3A_797 = arith.select %ge3A_796, %masked_sort3A_105, %rev3A_790 : vector<16xi1>, vector<16xf32>
      %select_n3A_798 = arith.select %ge3A_796, %masked_sort3A_106, %rev3A_795 : vector<16xi1>, vector<16xi32>
      %rev3A_799 = arith.constant 15 : i32
      %rev3A_800 = vector.broadcast %rev3A_799 : i32 to vector<16xi32>
      %rev3A_801 = tpu.iota {dimensions = array<i32: 0>} : vector<16xi32>
      %rev3A_802 = arith.subi %rev3A_800, %rev3A_801 : vector<16xi32>
      %rev3A_803 = tpu.dynamic_gather %masked_sort3A_150[%rev3A_802] in [0] : vector<16xf32>, vector<16xi32> -> vector<16xf32>
      %rev3A_804 = arith.constant 15 : i32
      %rev3A_805 = vector.broadcast %rev3A_804 : i32 to vector<16xi32>
      %rev3A_806 = tpu.iota {dimensions = array<i32: 0>} : vector<16xi32>
      %rev3A_807 = arith.subi %rev3A_805, %rev3A_806 : vector<16xi32>
      %rev3A_808 = tpu.dynamic_gather %masked_sort3A_151[%rev3A_807] in [0] : vector<16xi32>, vector<16xi32> -> vector<16xi32>
      %ge3A_809 = arith.cmpf oge, %masked_sort3A_109, %rev3A_803 : vector<16xf32>
      %select_n3A_810 = arith.select %ge3A_809, %masked_sort3A_109, %rev3A_803 : vector<16xi1>, vector<16xf32>
      %select_n3A_811 = arith.select %ge3A_809, %masked_sort3A_110, %rev3A_808 : vector<16xi1>, vector<16xi32>
      %ge3A_812 = arith.cmpf oge, %select_n3A_797, %select_n3A_810 : vector<16xf32>
      %select_n3A_813 = arith.select %ge3A_812, %select_n3A_797, %select_n3A_810 : vector<16xi1>, vector<16xf32>
      %select_n3A_814 = arith.select %ge3A_812, %select_n3A_798, %select_n3A_811 : vector<16xi1>, vector<16xi32>
      %select_n3A_815 = arith.select %ge3A_812, %select_n3A_810, %select_n3A_797 : vector<16xi1>, vector<16xf32>
      %select_n3A_816 = arith.select %ge3A_812, %select_n3A_811, %select_n3A_798 : vector<16xi1>, vector<16xi32>
      %masked_sort3A_817 = arith.constant dense<true> : vector<16xi1>
      %masked_sort3A_818, %masked_sort3A_819, %masked_sort3A_820 = tpu.sort %select_n3A_813, %select_n3A_814 masked %masked_sort3A_817 {descending = true} : (vector<16xf32>, vector<16xi32>, vector<16xi1>) -> (vector<16xi1>, vector<16xf32>, vector<16xi32>)
      %masked_sort3A_821 = arith.constant dense<true> : vector<16xi1>
      %masked_sort3A_822, %masked_sort3A_823, %masked_sort3A_824 = tpu.sort %select_n3A_815, %select_n3A_816 masked %masked_sort3A_821 {descending = true} : (vector<16xf32>, vector<16xi32>, vector<16xi1>) -> (vector<16xi1>, vector<16xf32>, vector<16xi32>)
      %rev3A_825 = arith.constant 15 : i32
      %rev3A_826 = vector.broadcast %rev3A_825 : i32 to vector<16xi32>
      %rev3A_827 = tpu.iota {dimensions = array<i32: 0>} : vector<16xi32>
      %rev3A_828 = arith.subi %rev3A_826, %rev3A_827 : vector<16xi32>
      %rev3A_829 = tpu.dynamic_gather %masked_sort3A_244[%rev3A_828] in [0] : vector<16xf32>, vector<16xi32> -> vector<16xf32>
      %rev3A_830 = arith.constant 15 : i32
      %rev3A_831 = vector.broadcast %rev3A_830 : i32 to vector<16xi32>
      %rev3A_832 = tpu.iota {dimensions = array<i32: 0>} : vector<16xi32>
      %rev3A_833 = arith.subi %rev3A_831, %rev3A_832 : vector<16xi32>
      %rev3A_834 = tpu.dynamic_gather %masked_sort3A_245[%rev3A_833] in [0] : vector<16xi32>, vector<16xi32> -> vector<16xi32>
      %ge3A_835 = arith.cmpf oge, %masked_sort3A_195, %rev3A_829 : vector<16xf32>
      %select_n3A_836 = arith.select %ge3A_835, %masked_sort3A_195, %rev3A_829 : vector<16xi1>, vector<16xf32>
      %select_n3A_837 = arith.select %ge3A_835, %masked_sort3A_196, %rev3A_834 : vector<16xi1>, vector<16xi32>
      %rev3A_838 = arith.constant 15 : i32
      %rev3A_839 = vector.broadcast %rev3A_838 : i32 to vector<16xi32>
      %rev3A_840 = tpu.iota {dimensions = array<i32: 0>} : vector<16xi32>
      %rev3A_841 = arith.subi %rev3A_839, %rev3A_840 : vector<16xi32>
      %rev3A_842 = tpu.dynamic_gather %masked_sort3A_240[%rev3A_841] in [0] : vector<16xf32>, vector<16xi32> -> vector<16xf32>
      %rev3A_843 = arith.constant 15 : i32
      %rev3A_844 = vector.broadcast %rev3A_843 : i32 to vector<16xi32>
      %rev3A_845 = tpu.iota {dimensions = array<i32: 0>} : vector<16xi32>
      %rev3A_846 = arith.subi %rev3A_844, %rev3A_845 : vector<16xi32>
      %rev3A_847 = tpu.dynamic_gather %masked_sort3A_241[%rev3A_846] in [0] : vector<16xi32>, vector<16xi32> -> vector<16xi32>
      %ge3A_848 = arith.cmpf oge, %masked_sort3A_199, %rev3A_842 : vector<16xf32>
      %select_n3A_849 = arith.select %ge3A_848, %masked_sort3A_199, %rev3A_842 : vector<16xi1>, vector<16xf32>
      %select_n3A_850 = arith.select %ge3A_848, %masked_sort3A_200, %rev3A_847 : vector<16xi1>, vector<16xi32>
      %ge3A_851 = arith.cmpf oge, %select_n3A_836, %select_n3A_849 : vector<16xf32>
      %select_n3A_852 = arith.select %ge3A_851, %select_n3A_836, %select_n3A_849 : vector<16xi1>, vector<16xf32>
      %select_n3A_853 = arith.select %ge3A_851, %select_n3A_837, %select_n3A_850 : vector<16xi1>, vector<16xi32>
      %select_n3A_854 = arith.select %ge3A_851, %select_n3A_849, %select_n3A_836 : vector<16xi1>, vector<16xf32>
      %select_n3A_855 = arith.select %ge3A_851, %select_n3A_850, %select_n3A_837 : vector<16xi1>, vector<16xi32>
      %masked_sort3A_856 = arith.constant dense<true> : vector<16xi1>
      %masked_sort3A_857, %masked_sort3A_858, %masked_sort3A_859 = tpu.sort %select_n3A_852, %select_n3A_853 masked %masked_sort3A_856 {descending = true} : (vector<16xf32>, vector<16xi32>, vector<16xi1>) -> (vector<16xi1>, vector<16xf32>, vector<16xi32>)
      %masked_sort3A_860 = arith.constant dense<true> : vector<16xi1>
      %masked_sort3A_861, %masked_sort3A_862, %masked_sort3A_863 = tpu.sort %select_n3A_854, %select_n3A_855 masked %masked_sort3A_860 {descending = true} : (vector<16xf32>, vector<16xi32>, vector<16xi1>) -> (vector<16xi1>, vector<16xf32>, vector<16xi32>)
      %rev3A_864 = arith.constant 15 : i32
      %rev3A_865 = vector.broadcast %rev3A_864 : i32 to vector<16xi32>
      %rev3A_866 = tpu.iota {dimensions = array<i32: 0>} : vector<16xi32>
      %rev3A_867 = arith.subi %rev3A_865, %rev3A_866 : vector<16xi32>
      %rev3A_868 = tpu.dynamic_gather %masked_sort3A_334[%rev3A_867] in [0] : vector<16xf32>, vector<16xi32> -> vector<16xf32>
      %rev3A_869 = arith.constant 15 : i32
      %rev3A_870 = vector.broadcast %rev3A_869 : i32 to vector<16xi32>
      %rev3A_871 = tpu.iota {dimensions = array<i32: 0>} : vector<16xi32>
      %rev3A_872 = arith.subi %rev3A_870, %rev3A_871 : vector<16xi32>
      %rev3A_873 = tpu.dynamic_gather %masked_sort3A_335[%rev3A_872] in [0] : vector<16xi32>, vector<16xi32> -> vector<16xi32>
      %ge3A_874 = arith.cmpf oge, %masked_sort3A_285, %rev3A_868 : vector<16xf32>
      %select_n3A_875 = arith.select %ge3A_874, %masked_sort3A_285, %rev3A_868 : vector<16xi1>, vector<16xf32>
      %select_n3A_876 = arith.select %ge3A_874, %masked_sort3A_286, %rev3A_873 : vector<16xi1>, vector<16xi32>
      %rev3A_877 = arith.constant 15 : i32
      %rev3A_878 = vector.broadcast %rev3A_877 : i32 to vector<16xi32>
      %rev3A_879 = tpu.iota {dimensions = array<i32: 0>} : vector<16xi32>
      %rev3A_880 = arith.subi %rev3A_878, %rev3A_879 : vector<16xi32>
      %rev3A_881 = tpu.dynamic_gather %masked_sort3A_330[%rev3A_880] in [0] : vector<16xf32>, vector<16xi32> -> vector<16xf32>
      %rev3A_882 = arith.constant 15 : i32
      %rev3A_883 = vector.broadcast %rev3A_882 : i32 to vector<16xi32>
      %rev3A_884 = tpu.iota {dimensions = array<i32: 0>} : vector<16xi32>
      %rev3A_885 = arith.subi %rev3A_883, %rev3A_884 : vector<16xi32>
      %rev3A_886 = tpu.dynamic_gather %masked_sort3A_331[%rev3A_885] in [0] : vector<16xi32>, vector<16xi32> -> vector<16xi32>
      %ge3A_887 = arith.cmpf oge, %masked_sort3A_289, %rev3A_881 : vector<16xf32>
      %select_n3A_888 = arith.select %ge3A_887, %masked_sort3A_289, %rev3A_881 : vector<16xi1>, vector<16xf32>
      %select_n3A_889 = arith.select %ge3A_887, %masked_sort3A_290, %rev3A_886 : vector<16xi1>, vector<16xi32>
      %ge3A_890 = arith.cmpf oge, %select_n3A_875, %select_n3A_888 : vector<16xf32>
      %select_n3A_891 = arith.select %ge3A_890, %select_n3A_875, %select_n3A_888 : vector<16xi1>, vector<16xf32>
      %select_n3A_892 = arith.select %ge3A_890, %select_n3A_876, %select_n3A_889 : vector<16xi1>, vector<16xi32>
      %select_n3A_893 = arith.select %ge3A_890, %select_n3A_888, %select_n3A_875 : vector<16xi1>, vector<16xf32>
      %select_n3A_894 = arith.select %ge3A_890, %select_n3A_889, %select_n3A_876 : vector<16xi1>, vector<16xi32>
      %masked_sort3A_895 = arith.constant dense<true> : vector<16xi1>
      %masked_sort3A_896, %masked_sort3A_897, %masked_sort3A_898 = tpu.sort %select_n3A_891, %select_n3A_892 masked %masked_sort3A_895 {descending = true} : (vector<16xf32>, vector<16xi32>, vector<16xi1>) -> (vector<16xi1>, vector<16xf32>, vector<16xi32>)
      %masked_sort3A_899 = arith.constant dense<true> : vector<16xi1>
      %masked_sort3A_900, %masked_sort3A_901, %masked_sort3A_902 = tpu.sort %select_n3A_893, %select_n3A_894 masked %masked_sort3A_899 {descending = true} : (vector<16xf32>, vector<16xi32>, vector<16xi1>) -> (vector<16xi1>, vector<16xf32>, vector<16xi32>)
      %rev3A_903 = arith.constant 15 : i32
      %rev3A_904 = vector.broadcast %rev3A_903 : i32 to vector<16xi32>
      %rev3A_905 = tpu.iota {dimensions = array<i32: 0>} : vector<16xi32>
      %rev3A_906 = arith.subi %rev3A_904, %rev3A_905 : vector<16xi32>
      %rev3A_907 = tpu.dynamic_gather %masked_sort3A_424[%rev3A_906] in [0] : vector<16xf32>, vector<16xi32> -> vector<16xf32>
      %rev3A_908 = arith.constant 15 : i32
      %rev3A_909 = vector.broadcast %rev3A_908 : i32 to vector<16xi32>
      %rev3A_910 = tpu.iota {dimensions = array<i32: 0>} : vector<16xi32>
      %rev3A_911 = arith.subi %rev3A_909, %rev3A_910 : vector<16xi32>
      %rev3A_912 = tpu.dynamic_gather %masked_sort3A_425[%rev3A_911] in [0] : vector<16xi32>, vector<16xi32> -> vector<16xi32>
      %ge3A_913 = arith.cmpf oge, %masked_sort3A_375, %rev3A_907 : vector<16xf32>
      %select_n3A_914 = arith.select %ge3A_913, %masked_sort3A_375, %rev3A_907 : vector<16xi1>, vector<16xf32>
      %select_n3A_915 = arith.select %ge3A_913, %masked_sort3A_376, %rev3A_912 : vector<16xi1>, vector<16xi32>
      %rev3A_916 = arith.constant 15 : i32
      %rev3A_917 = vector.broadcast %rev3A_916 : i32 to vector<16xi32>
      %rev3A_918 = tpu.iota {dimensions = array<i32: 0>} : vector<16xi32>
      %rev3A_919 = arith.subi %rev3A_917, %rev3A_918 : vector<16xi32>
      %rev3A_920 = tpu.dynamic_gather %masked_sort3A_420[%rev3A_919] in [0] : vector<16xf32>, vector<16xi32> -> vector<16xf32>
      %rev3A_921 = arith.constant 15 : i32
      %rev3A_922 = vector.broadcast %rev3A_921 : i32 to vector<16xi32>
      %rev3A_923 = tpu.iota {dimensions = array<i32: 0>} : vector<16xi32>
      %rev3A_924 = arith.subi %rev3A_922, %rev3A_923 : vector<16xi32>
      %rev3A_925 = tpu.dynamic_gather %masked_sort3A_421[%rev3A_924] in [0] : vector<16xi32>, vector<16xi32> -> vector<16xi32>
      %ge3A_926 = arith.cmpf oge, %masked_sort3A_379, %rev3A_920 : vector<16xf32>
      %select_n3A_927 = arith.select %ge3A_926, %masked_sort3A_379, %rev3A_920 : vector<16xi1>, vector<16xf32>
      %select_n3A_928 = arith.select %ge3A_926, %masked_sort3A_380, %rev3A_925 : vector<16xi1>, vector<16xi32>
      %ge3A_929 = arith.cmpf oge, %select_n3A_914, %select_n3A_927 : vector<16xf32>
      %select_n3A_930 = arith.select %ge3A_929, %select_n3A_914, %select_n3A_927 : vector<16xi1>, vector<16xf32>
      %select_n3A_931 = arith.select %ge3A_929, %select_n3A_915, %select_n3A_928 : vector<16xi1>, vector<16xi32>
      %select_n3A_932 = arith.select %ge3A_929, %select_n3A_927, %select_n3A_914 : vector<16xi1>, vector<16xf32>
      %select_n3A_933 = arith.select %ge3A_929, %select_n3A_928, %select_n3A_915 : vector<16xi1>, vector<16xi32>
      %masked_sort3A_934 = arith.constant dense<true> : vector<16xi1>
      %masked_sort3A_935, %masked_sort3A_936, %masked_sort3A_937 = tpu.sort %select_n3A_930, %select_n3A_931 masked %masked_sort3A_934 {descending = true} : (vector<16xf32>, vector<16xi32>, vector<16xi1>) -> (vector<16xi1>, vector<16xf32>, vector<16xi32>)
      %masked_sort3A_938 = arith.constant dense<true> : vector<16xi1>
      %masked_sort3A_939, %masked_sort3A_940, %masked_sort3A_941 = tpu.sort %select_n3A_932, %select_n3A_933 masked %masked_sort3A_938 {descending = true} : (vector<16xf32>, vector<16xi32>, vector<16xi1>) -> (vector<16xi1>, vector<16xf32>, vector<16xi32>)
      %rev3A_942 = arith.constant 15 : i32
      %rev3A_943 = vector.broadcast %rev3A_942 : i32 to vector<16xi32>
      %rev3A_944 = tpu.iota {dimensions = array<i32: 0>} : vector<16xi32>
      %rev3A_945 = arith.subi %rev3A_943, %rev3A_944 : vector<16xi32>
      %rev3A_946 = tpu.dynamic_gather %masked_sort3A_514[%rev3A_945] in [0] : vector<16xf32>, vector<16xi32> -> vector<16xf32>
      %rev3A_947 = arith.constant 15 : i32
      %rev3A_948 = vector.broadcast %rev3A_947 : i32 to vector<16xi32>
      %rev3A_949 = tpu.iota {dimensions = array<i32: 0>} : vector<16xi32>
      %rev3A_950 = arith.subi %rev3A_948, %rev3A_949 : vector<16xi32>
      %rev3A_951 = tpu.dynamic_gather %masked_sort3A_515[%rev3A_950] in [0] : vector<16xi32>, vector<16xi32> -> vector<16xi32>
      %ge3A_952 = arith.cmpf oge, %masked_sort3A_465, %rev3A_946 : vector<16xf32>
      %select_n3A_953 = arith.select %ge3A_952, %masked_sort3A_465, %rev3A_946 : vector<16xi1>, vector<16xf32>
      %select_n3A_954 = arith.select %ge3A_952, %masked_sort3A_466, %rev3A_951 : vector<16xi1>, vector<16xi32>
      %rev3A_955 = arith.constant 15 : i32
      %rev3A_956 = vector.broadcast %rev3A_955 : i32 to vector<16xi32>
      %rev3A_957 = tpu.iota {dimensions = array<i32: 0>} : vector<16xi32>
      %rev3A_958 = arith.subi %rev3A_956, %rev3A_957 : vector<16xi32>
      %rev3A_959 = tpu.dynamic_gather %masked_sort3A_510[%rev3A_958] in [0] : vector<16xf32>, vector<16xi32> -> vector<16xf32>
      %rev3A_960 = arith.constant 15 : i32
      %rev3A_961 = vector.broadcast %rev3A_960 : i32 to vector<16xi32>
      %rev3A_962 = tpu.iota {dimensions = array<i32: 0>} : vector<16xi32>
      %rev3A_963 = arith.subi %rev3A_961, %rev3A_962 : vector<16xi32>
      %rev3A_964 = tpu.dynamic_gather %masked_sort3A_511[%rev3A_963] in [0] : vector<16xi32>, vector<16xi32> -> vector<16xi32>
      %ge3A_965 = arith.cmpf oge, %masked_sort3A_469, %rev3A_959 : vector<16xf32>
      %select_n3A_966 = arith.select %ge3A_965, %masked_sort3A_469, %rev3A_959 : vector<16xi1>, vector<16xf32>
      %select_n3A_967 = arith.select %ge3A_965, %masked_sort3A_470, %rev3A_964 : vector<16xi1>, vector<16xi32>
      %ge3A_968 = arith.cmpf oge, %select_n3A_953, %select_n3A_966 : vector<16xf32>
      %select_n3A_969 = arith.select %ge3A_968, %select_n3A_953, %select_n3A_966 : vector<16xi1>, vector<16xf32>
      %select_n3A_970 = arith.select %ge3A_968, %select_n3A_954, %select_n3A_967 : vector<16xi1>, vector<16xi32>
      %select_n3A_971 = arith.select %ge3A_968, %select_n3A_966, %select_n3A_953 : vector<16xi1>, vector<16xf32>
      %select_n3A_972 = arith.select %ge3A_968, %select_n3A_967, %select_n3A_954 : vector<16xi1>, vector<16xi32>
      %masked_sort3A_973 = arith.constant dense<true> : vector<16xi1>
      %masked_sort3A_974, %masked_sort3A_975, %masked_sort3A_976 = tpu.sort %select_n3A_969, %select_n3A_970 masked %masked_sort3A_973 {descending = true} : (vector<16xf32>, vector<16xi32>, vector<16xi1>) -> (vector<16xi1>, vector<16xf32>, vector<16xi32>)
      %masked_sort3A_977 = arith.constant dense<true> : vector<16xi1>
      %masked_sort3A_978, %masked_sort3A_979, %masked_sort3A_980 = tpu.sort %select_n3A_971, %select_n3A_972 masked %masked_sort3A_977 {descending = true} : (vector<16xf32>, vector<16xi32>, vector<16xi1>) -> (vector<16xi1>, vector<16xf32>, vector<16xi32>)
      %rev3A_981 = arith.constant 15 : i32
      %rev3A_982 = vector.broadcast %rev3A_981 : i32 to vector<16xi32>
      %rev3A_983 = tpu.iota {dimensions = array<i32: 0>} : vector<16xi32>
      %rev3A_984 = arith.subi %rev3A_982, %rev3A_983 : vector<16xi32>
      %rev3A_985 = tpu.dynamic_gather %masked_sort3A_604[%rev3A_984] in [0] : vector<16xf32>, vector<16xi32> -> vector<16xf32>
      %rev3A_986 = arith.constant 15 : i32
      %rev3A_987 = vector.broadcast %rev3A_986 : i32 to vector<16xi32>
      %rev3A_988 = tpu.iota {dimensions = array<i32: 0>} : vector<16xi32>
      %rev3A_989 = arith.subi %rev3A_987, %rev3A_988 : vector<16xi32>
      %rev3A_990 = tpu.dynamic_gather %masked_sort3A_605[%rev3A_989] in [0] : vector<16xi32>, vector<16xi32> -> vector<16xi32>
      %ge3A_991 = arith.cmpf oge, %masked_sort3A_555, %rev3A_985 : vector<16xf32>
      %select_n3A_992 = arith.select %ge3A_991, %masked_sort3A_555, %rev3A_985 : vector<16xi1>, vector<16xf32>
      %select_n3A_993 = arith.select %ge3A_991, %masked_sort3A_556, %rev3A_990 : vector<16xi1>, vector<16xi32>
      %rev3A_994 = arith.constant 15 : i32
      %rev3A_995 = vector.broadcast %rev3A_994 : i32 to vector<16xi32>
      %rev3A_996 = tpu.iota {dimensions = array<i32: 0>} : vector<16xi32>
      %rev3A_997 = arith.subi %rev3A_995, %rev3A_996 : vector<16xi32>
      %rev3A_998 = tpu.dynamic_gather %masked_sort3A_600[%rev3A_997] in [0] : vector<16xf32>, vector<16xi32> -> vector<16xf32>
      %rev3A_999 = arith.constant 15 : i32
      %rev3A_1000 = vector.broadcast %rev3A_999 : i32 to vector<16xi32>
      %rev3A_1001 = tpu.iota {dimensions = array<i32: 0>} : vector<16xi32>
      %rev3A_1002 = arith.subi %rev3A_1000, %rev3A_1001 : vector<16xi32>
      %rev3A_1003 = tpu.dynamic_gather %masked_sort3A_601[%rev3A_1002] in [0] : vector<16xi32>, vector<16xi32> -> vector<16xi32>
      %ge3A_1004 = arith.cmpf oge, %masked_sort3A_559, %rev3A_998 : vector<16xf32>
      %select_n3A_1005 = arith.select %ge3A_1004, %masked_sort3A_559, %rev3A_998 : vector<16xi1>, vector<16xf32>
      %select_n3A_1006 = arith.select %ge3A_1004, %masked_sort3A_560, %rev3A_1003 : vector<16xi1>, vector<16xi32>
      %ge3A_1007 = arith.cmpf oge, %select_n3A_992, %select_n3A_1005 : vector<16xf32>
      %select_n3A_1008 = arith.select %ge3A_1007, %select_n3A_992, %select_n3A_1005 : vector<16xi1>, vector<16xf32>
      %select_n3A_1009 = arith.select %ge3A_1007, %select_n3A_993, %select_n3A_1006 : vector<16xi1>, vector<16xi32>
      %select_n3A_1010 = arith.select %ge3A_1007, %select_n3A_1005, %select_n3A_992 : vector<16xi1>, vector<16xf32>
      %select_n3A_1011 = arith.select %ge3A_1007, %select_n3A_1006, %select_n3A_993 : vector<16xi1>, vector<16xi32>
      %masked_sort3A_1012 = arith.constant dense<true> : vector<16xi1>
      %masked_sort3A_1013, %masked_sort3A_1014, %masked_sort3A_1015 = tpu.sort %select_n3A_1008, %select_n3A_1009 masked %masked_sort3A_1012 {descending = true} : (vector<16xf32>, vector<16xi32>, vector<16xi1>) -> (vector<16xi1>, vector<16xf32>, vector<16xi32>)
      %masked_sort3A_1016 = arith.constant dense<true> : vector<16xi1>
      %masked_sort3A_1017, %masked_sort3A_1018, %masked_sort3A_1019 = tpu.sort %select_n3A_1010, %select_n3A_1011 masked %masked_sort3A_1016 {descending = true} : (vector<16xf32>, vector<16xi32>, vector<16xi1>) -> (vector<16xi1>, vector<16xf32>, vector<16xi32>)
      %rev3A_1020 = arith.constant 15 : i32
      %rev3A_1021 = vector.broadcast %rev3A_1020 : i32 to vector<16xi32>
      %rev3A_1022 = tpu.iota {dimensions = array<i32: 0>} : vector<16xi32>
      %rev3A_1023 = arith.subi %rev3A_1021, %rev3A_1022 : vector<16xi32>
      %rev3A_1024 = tpu.dynamic_gather %masked_sort3A_694[%rev3A_1023] in [0] : vector<16xf32>, vector<16xi32> -> vector<16xf32>
      %rev3A_1025 = arith.constant 15 : i32
      %rev3A_1026 = vector.broadcast %rev3A_1025 : i32 to vector<16xi32>
      %rev3A_1027 = tpu.iota {dimensions = array<i32: 0>} : vector<16xi32>
      %rev3A_1028 = arith.subi %rev3A_1026, %rev3A_1027 : vector<16xi32>
      %rev3A_1029 = tpu.dynamic_gather %masked_sort3A_695[%rev3A_1028] in [0] : vector<16xi32>, vector<16xi32> -> vector<16xi32>
      %ge3A_1030 = arith.cmpf oge, %masked_sort3A_645, %rev3A_1024 : vector<16xf32>
      %select_n3A_1031 = arith.select %ge3A_1030, %masked_sort3A_645, %rev3A_1024 : vector<16xi1>, vector<16xf32>
      %select_n3A_1032 = arith.select %ge3A_1030, %masked_sort3A_646, %rev3A_1029 : vector<16xi1>, vector<16xi32>
      %rev3A_1033 = arith.constant 15 : i32
      %rev3A_1034 = vector.broadcast %rev3A_1033 : i32 to vector<16xi32>
      %rev3A_1035 = tpu.iota {dimensions = array<i32: 0>} : vector<16xi32>
      %rev3A_1036 = arith.subi %rev3A_1034, %rev3A_1035 : vector<16xi32>
      %rev3A_1037 = tpu.dynamic_gather %masked_sort3A_690[%rev3A_1036] in [0] : vector<16xf32>, vector<16xi32> -> vector<16xf32>
      %rev3A_1038 = arith.constant 15 : i32
      %rev3A_1039 = vector.broadcast %rev3A_1038 : i32 to vector<16xi32>
      %rev3A_1040 = tpu.iota {dimensions = array<i32: 0>} : vector<16xi32>
      %rev3A_1041 = arith.subi %rev3A_1039, %rev3A_1040 : vector<16xi32>
      %rev3A_1042 = tpu.dynamic_gather %masked_sort3A_691[%rev3A_1041] in [0] : vector<16xi32>, vector<16xi32> -> vector<16xi32>
      %ge3A_1043 = arith.cmpf oge, %masked_sort3A_649, %rev3A_1037 : vector<16xf32>
      %select_n3A_1044 = arith.select %ge3A_1043, %masked_sort3A_649, %rev3A_1037 : vector<16xi1>, vector<16xf32>
      %select_n3A_1045 = arith.select %ge3A_1043, %masked_sort3A_650, %rev3A_1042 : vector<16xi1>, vector<16xi32>
      %ge3A_1046 = arith.cmpf oge, %select_n3A_1031, %select_n3A_1044 : vector<16xf32>
      %select_n3A_1047 = arith.select %ge3A_1046, %select_n3A_1031, %select_n3A_1044 : vector<16xi1>, vector<16xf32>
      %select_n3A_1048 = arith.select %ge3A_1046, %select_n3A_1032, %select_n3A_1045 : vector<16xi1>, vector<16xi32>
      %select_n3A_1049 = arith.select %ge3A_1046, %select_n3A_1044, %select_n3A_1031 : vector<16xi1>, vector<16xf32>
      %select_n3A_1050 = arith.select %ge3A_1046, %select_n3A_1045, %select_n3A_1032 : vector<16xi1>, vector<16xi32>
      %masked_sort3A_1051 = arith.constant dense<true> : vector<16xi1>
      %masked_sort3A_1052, %masked_sort3A_1053, %masked_sort3A_1054 = tpu.sort %select_n3A_1047, %select_n3A_1048 masked %masked_sort3A_1051 {descending = true} : (vector<16xf32>, vector<16xi32>, vector<16xi1>) -> (vector<16xi1>, vector<16xf32>, vector<16xi32>)
      %masked_sort3A_1055 = arith.constant dense<true> : vector<16xi1>
      %masked_sort3A_1056, %masked_sort3A_1057, %masked_sort3A_1058 = tpu.sort %select_n3A_1049, %select_n3A_1050 masked %masked_sort3A_1055 {descending = true} : (vector<16xf32>, vector<16xi32>, vector<16xi1>) -> (vector<16xi1>, vector<16xf32>, vector<16xi32>)
      %rev3A_1059 = arith.constant 15 : i32
      %rev3A_1060 = vector.broadcast %rev3A_1059 : i32 to vector<16xi32>
      %rev3A_1061 = tpu.iota {dimensions = array<i32: 0>} : vector<16xi32>
      %rev3A_1062 = arith.subi %rev3A_1060, %rev3A_1061 : vector<16xi32>
      %rev3A_1063 = tpu.dynamic_gather %masked_sort3A_784[%rev3A_1062] in [0] : vector<16xf32>, vector<16xi32> -> vector<16xf32>
      %rev3A_1064 = arith.constant 15 : i32
      %rev3A_1065 = vector.broadcast %rev3A_1064 : i32 to vector<16xi32>
      %rev3A_1066 = tpu.iota {dimensions = array<i32: 0>} : vector<16xi32>
      %rev3A_1067 = arith.subi %rev3A_1065, %rev3A_1066 : vector<16xi32>
      %rev3A_1068 = tpu.dynamic_gather %masked_sort3A_785[%rev3A_1067] in [0] : vector<16xi32>, vector<16xi32> -> vector<16xi32>
      %ge3A_1069 = arith.cmpf oge, %masked_sort3A_735, %rev3A_1063 : vector<16xf32>
      %select_n3A_1070 = arith.select %ge3A_1069, %masked_sort3A_735, %rev3A_1063 : vector<16xi1>, vector<16xf32>
      %select_n3A_1071 = arith.select %ge3A_1069, %masked_sort3A_736, %rev3A_1068 : vector<16xi1>, vector<16xi32>
      %rev3A_1072 = arith.constant 15 : i32
      %rev3A_1073 = vector.broadcast %rev3A_1072 : i32 to vector<16xi32>
      %rev3A_1074 = tpu.iota {dimensions = array<i32: 0>} : vector<16xi32>
      %rev3A_1075 = arith.subi %rev3A_1073, %rev3A_1074 : vector<16xi32>
      %rev3A_1076 = tpu.dynamic_gather %masked_sort3A_780[%rev3A_1075] in [0] : vector<16xf32>, vector<16xi32> -> vector<16xf32>
      %rev3A_1077 = arith.constant 15 : i32
      %rev3A_1078 = vector.broadcast %rev3A_1077 : i32 to vector<16xi32>
      %rev3A_1079 = tpu.iota {dimensions = array<i32: 0>} : vector<16xi32>
      %rev3A_1080 = arith.subi %rev3A_1078, %rev3A_1079 : vector<16xi32>
      %rev3A_1081 = tpu.dynamic_gather %masked_sort3A_781[%rev3A_1080] in [0] : vector<16xi32>, vector<16xi32> -> vector<16xi32>
      %ge3A_1082 = arith.cmpf oge, %masked_sort3A_739, %rev3A_1076 : vector<16xf32>
      %select_n3A_1083 = arith.select %ge3A_1082, %masked_sort3A_739, %rev3A_1076 : vector<16xi1>, vector<16xf32>
      %select_n3A_1084 = arith.select %ge3A_1082, %masked_sort3A_740, %rev3A_1081 : vector<16xi1>, vector<16xi32>
      %ge3A_1085 = arith.cmpf oge, %select_n3A_1070, %select_n3A_1083 : vector<16xf32>
      %select_n3A_1086 = arith.select %ge3A_1085, %select_n3A_1070, %select_n3A_1083 : vector<16xi1>, vector<16xf32>
      %select_n3A_1087 = arith.select %ge3A_1085, %select_n3A_1071, %select_n3A_1084 : vector<16xi1>, vector<16xi32>
      %select_n3A_1088 = arith.select %ge3A_1085, %select_n3A_1083, %select_n3A_1070 : vector<16xi1>, vector<16xf32>
      %select_n3A_1089 = arith.select %ge3A_1085, %select_n3A_1084, %select_n3A_1071 : vector<16xi1>, vector<16xi32>
      %masked_sort3A_1090 = arith.constant dense<true> : vector<16xi1>
      %masked_sort3A_1091, %masked_sort3A_1092, %masked_sort3A_1093 = tpu.sort %select_n3A_1086, %select_n3A_1087 masked %masked_sort3A_1090 {descending = true} : (vector<16xf32>, vector<16xi32>, vector<16xi1>) -> (vector<16xi1>, vector<16xf32>, vector<16xi32>)
      %masked_sort3A_1094 = arith.constant dense<true> : vector<16xi1>
      %masked_sort3A_1095, %masked_sort3A_1096, %masked_sort3A_1097 = tpu.sort %select_n3A_1088, %select_n3A_1089 masked %masked_sort3A_1094 {descending = true} : (vector<16xf32>, vector<16xi32>, vector<16xi1>) -> (vector<16xi1>, vector<16xf32>, vector<16xi32>)
      %rev3A_1098 = arith.constant 15 : i32
      %rev3A_1099 = vector.broadcast %rev3A_1098 : i32 to vector<16xi32>
      %rev3A_1100 = tpu.iota {dimensions = array<i32: 0>} : vector<16xi32>
      %rev3A_1101 = arith.subi %rev3A_1099, %rev3A_1100 : vector<16xi32>
      %rev3A_1102 = tpu.dynamic_gather %masked_sort3A_862[%rev3A_1101] in [0] : vector<16xf32>, vector<16xi32> -> vector<16xf32>
      %rev3A_1103 = arith.constant 15 : i32
      %rev3A_1104 = vector.broadcast %rev3A_1103 : i32 to vector<16xi32>
      %rev3A_1105 = tpu.iota {dimensions = array<i32: 0>} : vector<16xi32>
      %rev3A_1106 = arith.subi %rev3A_1104, %rev3A_1105 : vector<16xi32>
      %rev3A_1107 = tpu.dynamic_gather %masked_sort3A_863[%rev3A_1106] in [0] : vector<16xi32>, vector<16xi32> -> vector<16xi32>
      %ge3A_1108 = arith.cmpf oge, %masked_sort3A_819, %rev3A_1102 : vector<16xf32>
      %select_n3A_1109 = arith.select %ge3A_1108, %masked_sort3A_819, %rev3A_1102 : vector<16xi1>, vector<16xf32>
      %select_n3A_1110 = arith.select %ge3A_1108, %masked_sort3A_820, %rev3A_1107 : vector<16xi1>, vector<16xi32>
      %rev3A_1111 = arith.constant 15 : i32
      %rev3A_1112 = vector.broadcast %rev3A_1111 : i32 to vector<16xi32>
      %rev3A_1113 = tpu.iota {dimensions = array<i32: 0>} : vector<16xi32>
      %rev3A_1114 = arith.subi %rev3A_1112, %rev3A_1113 : vector<16xi32>
      %rev3A_1115 = tpu.dynamic_gather %masked_sort3A_858[%rev3A_1114] in [0] : vector<16xf32>, vector<16xi32> -> vector<16xf32>
      %rev3A_1116 = arith.constant 15 : i32
      %rev3A_1117 = vector.broadcast %rev3A_1116 : i32 to vector<16xi32>
      %rev3A_1118 = tpu.iota {dimensions = array<i32: 0>} : vector<16xi32>
      %rev3A_1119 = arith.subi %rev3A_1117, %rev3A_1118 : vector<16xi32>
      %rev3A_1120 = tpu.dynamic_gather %masked_sort3A_859[%rev3A_1119] in [0] : vector<16xi32>, vector<16xi32> -> vector<16xi32>
      %ge3A_1121 = arith.cmpf oge, %masked_sort3A_823, %rev3A_1115 : vector<16xf32>
      %select_n3A_1122 = arith.select %ge3A_1121, %masked_sort3A_823, %rev3A_1115 : vector<16xi1>, vector<16xf32>
      %select_n3A_1123 = arith.select %ge3A_1121, %masked_sort3A_824, %rev3A_1120 : vector<16xi1>, vector<16xi32>
      %ge3A_1124 = arith.cmpf oge, %select_n3A_1109, %select_n3A_1122 : vector<16xf32>
      %select_n3A_1125 = arith.select %ge3A_1124, %select_n3A_1109, %select_n3A_1122 : vector<16xi1>, vector<16xf32>
      %select_n3A_1126 = arith.select %ge3A_1124, %select_n3A_1110, %select_n3A_1123 : vector<16xi1>, vector<16xi32>
      %select_n3A_1127 = arith.select %ge3A_1124, %select_n3A_1122, %select_n3A_1109 : vector<16xi1>, vector<16xf32>
      %select_n3A_1128 = arith.select %ge3A_1124, %select_n3A_1123, %select_n3A_1110 : vector<16xi1>, vector<16xi32>
      %masked_sort3A_1129 = arith.constant dense<true> : vector<16xi1>
      %masked_sort3A_1130, %masked_sort3A_1131, %masked_sort3A_1132 = tpu.sort %select_n3A_1125, %select_n3A_1126 masked %masked_sort3A_1129 {descending = true} : (vector<16xf32>, vector<16xi32>, vector<16xi1>) -> (vector<16xi1>, vector<16xf32>, vector<16xi32>)
      %masked_sort3A_1133 = arith.constant dense<true> : vector<16xi1>
      %masked_sort3A_1134, %masked_sort3A_1135, %masked_sort3A_1136 = tpu.sort %select_n3A_1127, %select_n3A_1128 masked %masked_sort3A_1133 {descending = true} : (vector<16xf32>, vector<16xi32>, vector<16xi1>) -> (vector<16xi1>, vector<16xf32>, vector<16xi32>)
      %rev3A_1137 = arith.constant 15 : i32
      %rev3A_1138 = vector.broadcast %rev3A_1137 : i32 to vector<16xi32>
      %rev3A_1139 = tpu.iota {dimensions = array<i32: 0>} : vector<16xi32>
      %rev3A_1140 = arith.subi %rev3A_1138, %rev3A_1139 : vector<16xi32>
      %rev3A_1141 = tpu.dynamic_gather %masked_sort3A_940[%rev3A_1140] in [0] : vector<16xf32>, vector<16xi32> -> vector<16xf32>
      %rev3A_1142 = arith.constant 15 : i32
      %rev3A_1143 = vector.broadcast %rev3A_1142 : i32 to vector<16xi32>
      %rev3A_1144 = tpu.iota {dimensions = array<i32: 0>} : vector<16xi32>
      %rev3A_1145 = arith.subi %rev3A_1143, %rev3A_1144 : vector<16xi32>
      %rev3A_1146 = tpu.dynamic_gather %masked_sort3A_941[%rev3A_1145] in [0] : vector<16xi32>, vector<16xi32> -> vector<16xi32>
      %ge3A_1147 = arith.cmpf oge, %masked_sort3A_897, %rev3A_1141 : vector<16xf32>
      %select_n3A_1148 = arith.select %ge3A_1147, %masked_sort3A_897, %rev3A_1141 : vector<16xi1>, vector<16xf32>
      %select_n3A_1149 = arith.select %ge3A_1147, %masked_sort3A_898, %rev3A_1146 : vector<16xi1>, vector<16xi32>
      %rev3A_1150 = arith.constant 15 : i32
      %rev3A_1151 = vector.broadcast %rev3A_1150 : i32 to vector<16xi32>
      %rev3A_1152 = tpu.iota {dimensions = array<i32: 0>} : vector<16xi32>
      %rev3A_1153 = arith.subi %rev3A_1151, %rev3A_1152 : vector<16xi32>
      %rev3A_1154 = tpu.dynamic_gather %masked_sort3A_936[%rev3A_1153] in [0] : vector<16xf32>, vector<16xi32> -> vector<16xf32>
      %rev3A_1155 = arith.constant 15 : i32
      %rev3A_1156 = vector.broadcast %rev3A_1155 : i32 to vector<16xi32>
      %rev3A_1157 = tpu.iota {dimensions = array<i32: 0>} : vector<16xi32>
      %rev3A_1158 = arith.subi %rev3A_1156, %rev3A_1157 : vector<16xi32>
      %rev3A_1159 = tpu.dynamic_gather %masked_sort3A_937[%rev3A_1158] in [0] : vector<16xi32>, vector<16xi32> -> vector<16xi32>
      %ge3A_1160 = arith.cmpf oge, %masked_sort3A_901, %rev3A_1154 : vector<16xf32>
      %select_n3A_1161 = arith.select %ge3A_1160, %masked_sort3A_901, %rev3A_1154 : vector<16xi1>, vector<16xf32>
      %select_n3A_1162 = arith.select %ge3A_1160, %masked_sort3A_902, %rev3A_1159 : vector<16xi1>, vector<16xi32>
      %ge3A_1163 = arith.cmpf oge, %select_n3A_1148, %select_n3A_1161 : vector<16xf32>
      %select_n3A_1164 = arith.select %ge3A_1163, %select_n3A_1148, %select_n3A_1161 : vector<16xi1>, vector<16xf32>
      %select_n3A_1165 = arith.select %ge3A_1163, %select_n3A_1149, %select_n3A_1162 : vector<16xi1>, vector<16xi32>
      %select_n3A_1166 = arith.select %ge3A_1163, %select_n3A_1161, %select_n3A_1148 : vector<16xi1>, vector<16xf32>
      %select_n3A_1167 = arith.select %ge3A_1163, %select_n3A_1162, %select_n3A_1149 : vector<16xi1>, vector<16xi32>
      %masked_sort3A_1168 = arith.constant dense<true> : vector<16xi1>
      %masked_sort3A_1169, %masked_sort3A_1170, %masked_sort3A_1171 = tpu.sort %select_n3A_1164, %select_n3A_1165 masked %masked_sort3A_1168 {descending = true} : (vector<16xf32>, vector<16xi32>, vector<16xi1>) -> (vector<16xi1>, vector<16xf32>, vector<16xi32>)
      %masked_sort3A_1172 = arith.constant dense<true> : vector<16xi1>
      %masked_sort3A_1173, %masked_sort3A_1174, %masked_sort3A_1175 = tpu.sort %select_n3A_1166, %select_n3A_1167 masked %masked_sort3A_1172 {descending = true} : (vector<16xf32>, vector<16xi32>, vector<16xi1>) -> (vector<16xi1>, vector<16xf32>, vector<16xi32>)
      %rev3A_1176 = arith.constant 15 : i32
      %rev3A_1177 = vector.broadcast %rev3A_1176 : i32 to vector<16xi32>
      %rev3A_1178 = tpu.iota {dimensions = array<i32: 0>} : vector<16xi32>
      %rev3A_1179 = arith.subi %rev3A_1177, %rev3A_1178 : vector<16xi32>
      %rev3A_1180 = tpu.dynamic_gather %masked_sort3A_1018[%rev3A_1179] in [0] : vector<16xf32>, vector<16xi32> -> vector<16xf32>
      %rev3A_1181 = arith.constant 15 : i32
      %rev3A_1182 = vector.broadcast %rev3A_1181 : i32 to vector<16xi32>
      %rev3A_1183 = tpu.iota {dimensions = array<i32: 0>} : vector<16xi32>
      %rev3A_1184 = arith.subi %rev3A_1182, %rev3A_1183 : vector<16xi32>
      %rev3A_1185 = tpu.dynamic_gather %masked_sort3A_1019[%rev3A_1184] in [0] : vector<16xi32>, vector<16xi32> -> vector<16xi32>
      %ge3A_1186 = arith.cmpf oge, %masked_sort3A_975, %rev3A_1180 : vector<16xf32>
      %select_n3A_1187 = arith.select %ge3A_1186, %masked_sort3A_975, %rev3A_1180 : vector<16xi1>, vector<16xf32>
      %select_n3A_1188 = arith.select %ge3A_1186, %masked_sort3A_976, %rev3A_1185 : vector<16xi1>, vector<16xi32>
      %rev3A_1189 = arith.constant 15 : i32
      %rev3A_1190 = vector.broadcast %rev3A_1189 : i32 to vector<16xi32>
      %rev3A_1191 = tpu.iota {dimensions = array<i32: 0>} : vector<16xi32>
      %rev3A_1192 = arith.subi %rev3A_1190, %rev3A_1191 : vector<16xi32>
      %rev3A_1193 = tpu.dynamic_gather %masked_sort3A_1014[%rev3A_1192] in [0] : vector<16xf32>, vector<16xi32> -> vector<16xf32>
      %rev3A_1194 = arith.constant 15 : i32
      %rev3A_1195 = vector.broadcast %rev3A_1194 : i32 to vector<16xi32>
      %rev3A_1196 = tpu.iota {dimensions = array<i32: 0>} : vector<16xi32>
      %rev3A_1197 = arith.subi %rev3A_1195, %rev3A_1196 : vector<16xi32>
      %rev3A_1198 = tpu.dynamic_gather %masked_sort3A_1015[%rev3A_1197] in [0] : vector<16xi32>, vector<16xi32> -> vector<16xi32>
      %ge3A_1199 = arith.cmpf oge, %masked_sort3A_979, %rev3A_1193 : vector<16xf32>
      %select_n3A_1200 = arith.select %ge3A_1199, %masked_sort3A_979, %rev3A_1193 : vector<16xi1>, vector<16xf32>
      %select_n3A_1201 = arith.select %ge3A_1199, %masked_sort3A_980, %rev3A_1198 : vector<16xi1>, vector<16xi32>
      %ge3A_1202 = arith.cmpf oge, %select_n3A_1187, %select_n3A_1200 : vector<16xf32>
      %select_n3A_1203 = arith.select %ge3A_1202, %select_n3A_1187, %select_n3A_1200 : vector<16xi1>, vector<16xf32>
      %select_n3A_1204 = arith.select %ge3A_1202, %select_n3A_1188, %select_n3A_1201 : vector<16xi1>, vector<16xi32>
      %select_n3A_1205 = arith.select %ge3A_1202, %select_n3A_1200, %select_n3A_1187 : vector<16xi1>, vector<16xf32>
      %select_n3A_1206 = arith.select %ge3A_1202, %select_n3A_1201, %select_n3A_1188 : vector<16xi1>, vector<16xi32>
      %masked_sort3A_1207 = arith.constant dense<true> : vector<16xi1>
      %masked_sort3A_1208, %masked_sort3A_1209, %masked_sort3A_1210 = tpu.sort %select_n3A_1203, %select_n3A_1204 masked %masked_sort3A_1207 {descending = true} : (vector<16xf32>, vector<16xi32>, vector<16xi1>) -> (vector<16xi1>, vector<16xf32>, vector<16xi32>)
      %masked_sort3A_1211 = arith.constant dense<true> : vector<16xi1>
      %masked_sort3A_1212, %masked_sort3A_1213, %masked_sort3A_1214 = tpu.sort %select_n3A_1205, %select_n3A_1206 masked %masked_sort3A_1211 {descending = true} : (vector<16xf32>, vector<16xi32>, vector<16xi1>) -> (vector<16xi1>, vector<16xf32>, vector<16xi32>)
      %rev3A_1215 = arith.constant 15 : i32
      %rev3A_1216 = vector.broadcast %rev3A_1215 : i32 to vector<16xi32>
      %rev3A_1217 = tpu.iota {dimensions = array<i32: 0>} : vector<16xi32>
      %rev3A_1218 = arith.subi %rev3A_1216, %rev3A_1217 : vector<16xi32>
      %rev3A_1219 = tpu.dynamic_gather %masked_sort3A_1096[%rev3A_1218] in [0] : vector<16xf32>, vector<16xi32> -> vector<16xf32>
      %rev3A_1220 = arith.constant 15 : i32
      %rev3A_1221 = vector.broadcast %rev3A_1220 : i32 to vector<16xi32>
      %rev3A_1222 = tpu.iota {dimensions = array<i32: 0>} : vector<16xi32>
      %rev3A_1223 = arith.subi %rev3A_1221, %rev3A_1222 : vector<16xi32>
      %rev3A_1224 = tpu.dynamic_gather %masked_sort3A_1097[%rev3A_1223] in [0] : vector<16xi32>, vector<16xi32> -> vector<16xi32>
      %ge3A_1225 = arith.cmpf oge, %masked_sort3A_1053, %rev3A_1219 : vector<16xf32>
      %select_n3A_1226 = arith.select %ge3A_1225, %masked_sort3A_1053, %rev3A_1219 : vector<16xi1>, vector<16xf32>
      %select_n3A_1227 = arith.select %ge3A_1225, %masked_sort3A_1054, %rev3A_1224 : vector<16xi1>, vector<16xi32>
      %rev3A_1228 = arith.constant 15 : i32
      %rev3A_1229 = vector.broadcast %rev3A_1228 : i32 to vector<16xi32>
      %rev3A_1230 = tpu.iota {dimensions = array<i32: 0>} : vector<16xi32>
      %rev3A_1231 = arith.subi %rev3A_1229, %rev3A_1230 : vector<16xi32>
      %rev3A_1232 = tpu.dynamic_gather %masked_sort3A_1092[%rev3A_1231] in [0] : vector<16xf32>, vector<16xi32> -> vector<16xf32>
      %rev3A_1233 = arith.constant 15 : i32
      %rev3A_1234 = vector.broadcast %rev3A_1233 : i32 to vector<16xi32>
      %rev3A_1235 = tpu.iota {dimensions = array<i32: 0>} : vector<16xi32>
      %rev3A_1236 = arith.subi %rev3A_1234, %rev3A_1235 : vector<16xi32>
      %rev3A_1237 = tpu.dynamic_gather %masked_sort3A_1093[%rev3A_1236] in [0] : vector<16xi32>, vector<16xi32> -> vector<16xi32>
      %ge3A_1238 = arith.cmpf oge, %masked_sort3A_1057, %rev3A_1232 : vector<16xf32>
      %select_n3A_1239 = arith.select %ge3A_1238, %masked_sort3A_1057, %rev3A_1232 : vector<16xi1>, vector<16xf32>
      %select_n3A_1240 = arith.select %ge3A_1238, %masked_sort3A_1058, %rev3A_1237 : vector<16xi1>, vector<16xi32>
      %ge3A_1241 = arith.cmpf oge, %select_n3A_1226, %select_n3A_1239 : vector<16xf32>
      %select_n3A_1242 = arith.select %ge3A_1241, %select_n3A_1226, %select_n3A_1239 : vector<16xi1>, vector<16xf32>
      %select_n3A_1243 = arith.select %ge3A_1241, %select_n3A_1227, %select_n3A_1240 : vector<16xi1>, vector<16xi32>
      %select_n3A_1244 = arith.select %ge3A_1241, %select_n3A_1239, %select_n3A_1226 : vector<16xi1>, vector<16xf32>
      %select_n3A_1245 = arith.select %ge3A_1241, %select_n3A_1240, %select_n3A_1227 : vector<16xi1>, vector<16xi32>
      %masked_sort3A_1246 = arith.constant dense<true> : vector<16xi1>
      %masked_sort3A_1247, %masked_sort3A_1248, %masked_sort3A_1249 = tpu.sort %select_n3A_1242, %select_n3A_1243 masked %masked_sort3A_1246 {descending = true} : (vector<16xf32>, vector<16xi32>, vector<16xi1>) -> (vector<16xi1>, vector<16xf32>, vector<16xi32>)
      %masked_sort3A_1250 = arith.constant dense<true> : vector<16xi1>
      %masked_sort3A_1251, %masked_sort3A_1252, %masked_sort3A_1253 = tpu.sort %select_n3A_1244, %select_n3A_1245 masked %masked_sort3A_1250 {descending = true} : (vector<16xf32>, vector<16xi32>, vector<16xi1>) -> (vector<16xi1>, vector<16xf32>, vector<16xi32>)
      %rev3A_1254 = arith.constant 15 : i32
      %rev3A_1255 = vector.broadcast %rev3A_1254 : i32 to vector<16xi32>
      %rev3A_1256 = tpu.iota {dimensions = array<i32: 0>} : vector<16xi32>
      %rev3A_1257 = arith.subi %rev3A_1255, %rev3A_1256 : vector<16xi32>
      %rev3A_1258 = tpu.dynamic_gather %masked_sort3A_1174[%rev3A_1257] in [0] : vector<16xf32>, vector<16xi32> -> vector<16xf32>
      %rev3A_1259 = arith.constant 15 : i32
      %rev3A_1260 = vector.broadcast %rev3A_1259 : i32 to vector<16xi32>
      %rev3A_1261 = tpu.iota {dimensions = array<i32: 0>} : vector<16xi32>
      %rev3A_1262 = arith.subi %rev3A_1260, %rev3A_1261 : vector<16xi32>
      %rev3A_1263 = tpu.dynamic_gather %masked_sort3A_1175[%rev3A_1262] in [0] : vector<16xi32>, vector<16xi32> -> vector<16xi32>
      %ge3A_1264 = arith.cmpf oge, %masked_sort3A_1131, %rev3A_1258 : vector<16xf32>
      %select_n3A_1265 = arith.select %ge3A_1264, %masked_sort3A_1131, %rev3A_1258 : vector<16xi1>, vector<16xf32>
      %select_n3A_1266 = arith.select %ge3A_1264, %masked_sort3A_1132, %rev3A_1263 : vector<16xi1>, vector<16xi32>
      %rev3A_1267 = arith.constant 15 : i32
      %rev3A_1268 = vector.broadcast %rev3A_1267 : i32 to vector<16xi32>
      %rev3A_1269 = tpu.iota {dimensions = array<i32: 0>} : vector<16xi32>
      %rev3A_1270 = arith.subi %rev3A_1268, %rev3A_1269 : vector<16xi32>
      %rev3A_1271 = tpu.dynamic_gather %masked_sort3A_1170[%rev3A_1270] in [0] : vector<16xf32>, vector<16xi32> -> vector<16xf32>
      %rev3A_1272 = arith.constant 15 : i32
      %rev3A_1273 = vector.broadcast %rev3A_1272 : i32 to vector<16xi32>
      %rev3A_1274 = tpu.iota {dimensions = array<i32: 0>} : vector<16xi32>
      %rev3A_1275 = arith.subi %rev3A_1273, %rev3A_1274 : vector<16xi32>
      %rev3A_1276 = tpu.dynamic_gather %masked_sort3A_1171[%rev3A_1275] in [0] : vector<16xi32>, vector<16xi32> -> vector<16xi32>
      %ge3A_1277 = arith.cmpf oge, %masked_sort3A_1135, %rev3A_1271 : vector<16xf32>
      %select_n3A_1278 = arith.select %ge3A_1277, %masked_sort3A_1135, %rev3A_1271 : vector<16xi1>, vector<16xf32>
      %select_n3A_1279 = arith.select %ge3A_1277, %masked_sort3A_1136, %rev3A_1276 : vector<16xi1>, vector<16xi32>
      %ge3A_1280 = arith.cmpf oge, %select_n3A_1265, %select_n3A_1278 : vector<16xf32>
      %select_n3A_1281 = arith.select %ge3A_1280, %select_n3A_1265, %select_n3A_1278 : vector<16xi1>, vector<16xf32>
      %select_n3A_1282 = arith.select %ge3A_1280, %select_n3A_1266, %select_n3A_1279 : vector<16xi1>, vector<16xi32>
      %select_n3A_1283 = arith.select %ge3A_1280, %select_n3A_1278, %select_n3A_1265 : vector<16xi1>, vector<16xf32>
      %select_n3A_1284 = arith.select %ge3A_1280, %select_n3A_1279, %select_n3A_1266 : vector<16xi1>, vector<16xi32>
      %masked_sort3A_1285 = arith.constant dense<true> : vector<16xi1>
      %masked_sort3A_1286, %masked_sort3A_1287, %masked_sort3A_1288 = tpu.sort %select_n3A_1281, %select_n3A_1282 masked %masked_sort3A_1285 {descending = true} : (vector<16xf32>, vector<16xi32>, vector<16xi1>) -> (vector<16xi1>, vector<16xf32>, vector<16xi32>)
      %masked_sort3A_1289 = arith.constant dense<true> : vector<16xi1>
      %masked_sort3A_1290, %masked_sort3A_1291, %masked_sort3A_1292 = tpu.sort %select_n3A_1283, %select_n3A_1284 masked %masked_sort3A_1289 {descending = true} : (vector<16xf32>, vector<16xi32>, vector<16xi1>) -> (vector<16xi1>, vector<16xf32>, vector<16xi32>)
      %rev3A_1293 = arith.constant 15 : i32
      %rev3A_1294 = vector.broadcast %rev3A_1293 : i32 to vector<16xi32>
      %rev3A_1295 = tpu.iota {dimensions = array<i32: 0>} : vector<16xi32>
      %rev3A_1296 = arith.subi %rev3A_1294, %rev3A_1295 : vector<16xi32>
      %rev3A_1297 = tpu.dynamic_gather %masked_sort3A_1252[%rev3A_1296] in [0] : vector<16xf32>, vector<16xi32> -> vector<16xf32>
      %rev3A_1298 = arith.constant 15 : i32
      %rev3A_1299 = vector.broadcast %rev3A_1298 : i32 to vector<16xi32>
      %rev3A_1300 = tpu.iota {dimensions = array<i32: 0>} : vector<16xi32>
      %rev3A_1301 = arith.subi %rev3A_1299, %rev3A_1300 : vector<16xi32>
      %rev3A_1302 = tpu.dynamic_gather %masked_sort3A_1253[%rev3A_1301] in [0] : vector<16xi32>, vector<16xi32> -> vector<16xi32>
      %ge3A_1303 = arith.cmpf oge, %masked_sort3A_1209, %rev3A_1297 : vector<16xf32>
      %select_n3A_1304 = arith.select %ge3A_1303, %masked_sort3A_1209, %rev3A_1297 : vector<16xi1>, vector<16xf32>
      %select_n3A_1305 = arith.select %ge3A_1303, %masked_sort3A_1210, %rev3A_1302 : vector<16xi1>, vector<16xi32>
      %rev3A_1306 = arith.constant 15 : i32
      %rev3A_1307 = vector.broadcast %rev3A_1306 : i32 to vector<16xi32>
      %rev3A_1308 = tpu.iota {dimensions = array<i32: 0>} : vector<16xi32>
      %rev3A_1309 = arith.subi %rev3A_1307, %rev3A_1308 : vector<16xi32>
      %rev3A_1310 = tpu.dynamic_gather %masked_sort3A_1248[%rev3A_1309] in [0] : vector<16xf32>, vector<16xi32> -> vector<16xf32>
      %rev3A_1311 = arith.constant 15 : i32
      %rev3A_1312 = vector.broadcast %rev3A_1311 : i32 to vector<16xi32>
      %rev3A_1313 = tpu.iota {dimensions = array<i32: 0>} : vector<16xi32>
      %rev3A_1314 = arith.subi %rev3A_1312, %rev3A_1313 : vector<16xi32>
      %rev3A_1315 = tpu.dynamic_gather %masked_sort3A_1249[%rev3A_1314] in [0] : vector<16xi32>, vector<16xi32> -> vector<16xi32>
      %ge3A_1316 = arith.cmpf oge, %masked_sort3A_1213, %rev3A_1310 : vector<16xf32>
      %select_n3A_1317 = arith.select %ge3A_1316, %masked_sort3A_1213, %rev3A_1310 : vector<16xi1>, vector<16xf32>
      %select_n3A_1318 = arith.select %ge3A_1316, %masked_sort3A_1214, %rev3A_1315 : vector<16xi1>, vector<16xi32>
      %ge3A_1319 = arith.cmpf oge, %select_n3A_1304, %select_n3A_1317 : vector<16xf32>
      %select_n3A_1320 = arith.select %ge3A_1319, %select_n3A_1304, %select_n3A_1317 : vector<16xi1>, vector<16xf32>
      %select_n3A_1321 = arith.select %ge3A_1319, %select_n3A_1305, %select_n3A_1318 : vector<16xi1>, vector<16xi32>
      %select_n3A_1322 = arith.select %ge3A_1319, %select_n3A_1317, %select_n3A_1304 : vector<16xi1>, vector<16xf32>
      %select_n3A_1323 = arith.select %ge3A_1319, %select_n3A_1318, %select_n3A_1305 : vector<16xi1>, vector<16xi32>
      %masked_sort3A_1324 = arith.constant dense<true> : vector<16xi1>
      %masked_sort3A_1325, %masked_sort3A_1326, %masked_sort3A_1327 = tpu.sort %select_n3A_1320, %select_n3A_1321 masked %masked_sort3A_1324 {descending = true} : (vector<16xf32>, vector<16xi32>, vector<16xi1>) -> (vector<16xi1>, vector<16xf32>, vector<16xi32>)
      %masked_sort3A_1328 = arith.constant dense<true> : vector<16xi1>
      %masked_sort3A_1329, %masked_sort3A_1330, %masked_sort3A_1331 = tpu.sort %select_n3A_1322, %select_n3A_1323 masked %masked_sort3A_1328 {descending = true} : (vector<16xf32>, vector<16xi32>, vector<16xi1>) -> (vector<16xi1>, vector<16xf32>, vector<16xi32>)
      %rev3A_1332 = arith.constant 15 : i32
      %rev3A_1333 = vector.broadcast %rev3A_1332 : i32 to vector<16xi32>
      %rev3A_1334 = tpu.iota {dimensions = array<i32: 0>} : vector<16xi32>
      %rev3A_1335 = arith.subi %rev3A_1333, %rev3A_1334 : vector<16xi32>
      %rev3A_1336 = tpu.dynamic_gather %masked_sort3A_1330[%rev3A_1335] in [0] : vector<16xf32>, vector<16xi32> -> vector<16xf32>
      %rev3A_1337 = arith.constant 15 : i32
      %rev3A_1338 = vector.broadcast %rev3A_1337 : i32 to vector<16xi32>
      %rev3A_1339 = tpu.iota {dimensions = array<i32: 0>} : vector<16xi32>
      %rev3A_1340 = arith.subi %rev3A_1338, %rev3A_1339 : vector<16xi32>
      %rev3A_1341 = tpu.dynamic_gather %masked_sort3A_1331[%rev3A_1340] in [0] : vector<16xi32>, vector<16xi32> -> vector<16xi32>
      %ge3A_1342 = arith.cmpf oge, %masked_sort3A_1287, %rev3A_1336 : vector<16xf32>
      %select_n3A_1343 = arith.select %ge3A_1342, %masked_sort3A_1287, %rev3A_1336 : vector<16xi1>, vector<16xf32>
      %select_n3A_1344 = arith.select %ge3A_1342, %masked_sort3A_1288, %rev3A_1341 : vector<16xi1>, vector<16xi32>
      %rev3A_1345 = arith.constant 15 : i32
      %rev3A_1346 = vector.broadcast %rev3A_1345 : i32 to vector<16xi32>
      %rev3A_1347 = tpu.iota {dimensions = array<i32: 0>} : vector<16xi32>
      %rev3A_1348 = arith.subi %rev3A_1346, %rev3A_1347 : vector<16xi32>
      %rev3A_1349 = tpu.dynamic_gather %masked_sort3A_1326[%rev3A_1348] in [0] : vector<16xf32>, vector<16xi32> -> vector<16xf32>
      %rev3A_1350 = arith.constant 15 : i32
      %rev3A_1351 = vector.broadcast %rev3A_1350 : i32 to vector<16xi32>
      %rev3A_1352 = tpu.iota {dimensions = array<i32: 0>} : vector<16xi32>
      %rev3A_1353 = arith.subi %rev3A_1351, %rev3A_1352 : vector<16xi32>
      %rev3A_1354 = tpu.dynamic_gather %masked_sort3A_1327[%rev3A_1353] in [0] : vector<16xi32>, vector<16xi32> -> vector<16xi32>
      %ge3A_1355 = arith.cmpf oge, %masked_sort3A_1291, %rev3A_1349 : vector<16xf32>
      %select_n3A_1356 = arith.select %ge3A_1355, %masked_sort3A_1291, %rev3A_1349 : vector<16xi1>, vector<16xf32>
      %select_n3A_1357 = arith.select %ge3A_1355, %masked_sort3A_1292, %rev3A_1354 : vector<16xi1>, vector<16xi32>
      %ge3A_1358 = arith.cmpf oge, %select_n3A_1343, %select_n3A_1356 : vector<16xf32>
      %select_n3A_1359 = arith.select %ge3A_1358, %select_n3A_1343, %select_n3A_1356 : vector<16xi1>, vector<16xf32>
      %select_n3A_1360 = arith.select %ge3A_1358, %select_n3A_1344, %select_n3A_1357 : vector<16xi1>, vector<16xi32>
      %select_n3A_1361 = arith.select %ge3A_1358, %select_n3A_1356, %select_n3A_1343 : vector<16xi1>, vector<16xf32>
      %select_n3A_1362 = arith.select %ge3A_1358, %select_n3A_1357, %select_n3A_1344 : vector<16xi1>, vector<16xi32>
      %masked_sort3A_1363 = arith.constant dense<true> : vector<16xi1>
      %masked_sort3A_1364, %masked_sort3A_1365, %masked_sort3A_1366 = tpu.sort %select_n3A_1359, %select_n3A_1360 masked %masked_sort3A_1363 {descending = true} : (vector<16xf32>, vector<16xi32>, vector<16xi1>) -> (vector<16xi1>, vector<16xf32>, vector<16xi32>)
      %masked_sort3A_1367 = arith.constant dense<true> : vector<16xi1>
      %masked_sort3A_1368, %masked_sort3A_1369, %masked_sort3A_1370 = tpu.sort %select_n3A_1361, %select_n3A_1362 masked %masked_sort3A_1367 {descending = true} : (vector<16xf32>, vector<16xi32>, vector<16xi1>) -> (vector<16xi1>, vector<16xf32>, vector<16xi32>)
      %rem3A_1371 = arith.constant 16 : i32
      %rem3A_1372 = arith.remsi %scan3A_51, %rem3A_1371 : i32
      %swap3A = arith.index_cast %rem3A_1372 : i32 to index
      %swap3A_1373 = arith.constant 0 : index
      %swap3A_1374 = tpu.vector_load %arg6[%swap3A, %swap3A_1373] {strides = array<i32>} : memref<16x32xf32, #tpu.memory_space<vmem>>, vector<16xf32>,
      tpu.vector_store %arg6[%swap3A, %swap3A_1373], %masked_sort3A_1365 {strides = array<i32>} : memref<16x32xf32, #tpu.memory_space<vmem>>, vector<16xf32>,
      %swap3A_1375 = arith.index_cast %rem3A_1372 : i32 to index
      %swap3A_1376 = arith.constant 16 : index
      %swap3A_1377 = tpu.vector_load %arg6[%swap3A_1375, %swap3A_1376] {strides = array<i32>} : memref<16x32xf32, #tpu.memory_space<vmem>>, vector<16xf32>,
      tpu.vector_store %arg6[%swap3A_1375, %swap3A_1376], %masked_sort3A_1369 {strides = array<i32>} : memref<16x32xf32, #tpu.memory_space<vmem>>, vector<16xf32>,
      %swap3A_1378 = arith.index_cast %rem3A_1372 : i32 to index
      %swap3A_1379 = arith.constant 0 : index
      %swap3A_1380 = tpu.vector_load %arg7[%swap3A_1378, %swap3A_1379] {strides = array<i32>} : memref<16x32xi32, #tpu.memory_space<vmem>>, vector<16xi32>,
      tpu.vector_store %arg7[%swap3A_1378, %swap3A_1379], %masked_sort3A_1366 {strides = array<i32>} : memref<16x32xi32, #tpu.memory_space<vmem>>, vector<16xi32>,
      %swap3A_1381 = arith.index_cast %rem3A_1372 : i32 to index
      %swap3A_1382 = arith.constant 16 : index
      %swap3A_1383 = tpu.vector_load %arg7[%swap3A_1381, %swap3A_1382] {strides = array<i32>} : memref<16x32xi32, #tpu.memory_space<vmem>>, vector<16xi32>,
      tpu.vector_store %arg7[%swap3A_1381, %swap3A_1382], %masked_sort3A_1370 {strides = array<i32>} : memref<16x32xi32, #tpu.memory_space<vmem>>, vector<16xi32>,
      %rem3A_1384 = arith.constant 16 : i32
      %rem3A_1385 = arith.remsi %scan3A_51, %rem3A_1384 : i32
      %eq3A_1386 = arith.constant 15 : i32
      %eq3A_1387 = arith.cmpi eq, %rem3A_1385, %eq3A_1386 : i32
      %convert_element_type3A_1388 = arith.extui %eq3A_1387 : i1 to i32
      %cond3A_1389 = arith.constant 0 : i32
      %cond3A_1390 = arith.cmpi ne, %convert_element_type3A_1388, %cond3A_1389 : i32
      scf.if %cond3A_1390 {
        %mul3A_1392 = arith.constant 2048 : i32
        %mul3A_1393 = arith.muli %select_n3A, %mul3A_1392 : i32
        %add3A_1394 = arith.addi %mul3A_1393, %mul3A_32 : i32
        %add3A_1395 = arith.addi %add3A_1394, %scan3A_51 : i32
        %sub3A_1396 = arith.constant 15 : i32
        %sub3A_1397 = arith.subi %add3A_1395, %sub3A_1396 : i32
        %multiple_of3A = tpu.assume_multiple %sub3A_1397, 16 : i32
        "tpu.region"() ({
          %run_scoped3A = tpu.sem_alloc : memref<!tpu.dma_semaphore, #tpu.memory_space<semaphore_mem>>
          %dma_start3A_1398 = arith.constant 0 : i32
          %dma_start3A_1399 = tpu.memref_slice %arg3[%multiple_of3A, %dma_start3A_1398] : memref<8192x32xf32, #tpu.memory_space<hbm>> -> memref<16x32xf32, #tpu.memory_space<hbm>>
          %dma_start3A_1400 = arith.constant 0 : i32
          %dma_start3A_1401 = tpu.memref_slice %arg3[%multiple_of3A, %dma_start3A_1400] : memref<8192x32xf32, #tpu.memory_space<hbm>> -> memref<16x32xf32, #tpu.memory_space<hbm>>
          tpu.enqueue_dma source(%arg6 : memref<16x32xf32, #tpu.memory_space<vmem>>) target(%dma_start3A_1401 : memref<16x32xf32, #tpu.memory_space<hbm>>) target_semaphore(%run_scoped3A : memref<!tpu.dma_semaphore, #tpu.memory_space<semaphore_mem>>)
          %dma_wait3A_1402 = arith.constant 0 : i32
          %dma_wait3A_1403 = tpu.memref_slice %arg3[%multiple_of3A, %dma_wait3A_1402] : memref<8192x32xf32, #tpu.memory_space<hbm>> -> memref<16x32xf32, #tpu.memory_space<hbm>>
          %dma_wait3A_1404 = arith.constant 0 : i32
          %dma_wait3A_1405 = tpu.memref_slice %arg3[%multiple_of3A, %dma_wait3A_1404] : memref<8192x32xf32, #tpu.memory_space<hbm>> -> memref<16x32xf32, #tpu.memory_space<hbm>>
          tpu.wait_dma2 semaphore(%run_scoped3A : memref<!tpu.dma_semaphore, #tpu.memory_space<semaphore_mem>>) src(%arg6 : memref<16x32xf32, #tpu.memory_space<vmem>>) dst(%dma_wait3A_1405 : memref<16x32xf32, #tpu.memory_space<hbm>>)
          tpu.yield
        }) : () -> ()
        "tpu.region"() ({
          %run_scoped3A = tpu.sem_alloc : memref<!tpu.dma_semaphore, #tpu.memory_space<semaphore_mem>>
          %dma_start3A_1398 = arith.constant 0 : i32
          %dma_start3A_1399 = tpu.memref_slice %arg4[%multiple_of3A, %dma_start3A_1398] : memref<8192x32xi32, #tpu.memory_space<hbm>> -> memref<16x32xi32, #tpu.memory_space<hbm>>
          %dma_start3A_1400 = arith.constant 0 : i32
          %dma_start3A_1401 = tpu.memref_slice %arg4[%multiple_of3A, %dma_start3A_1400] : memref<8192x32xi32, #tpu.memory_space<hbm>> -> memref<16x32xi32, #tpu.memory_space<hbm>>
          tpu.enqueue_dma source(%arg7 : memref<16x32xi32, #tpu.memory_space<vmem>>) target(%dma_start3A_1401 : memref<16x32xi32, #tpu.memory_space<hbm>>) target_semaphore(%run_scoped3A : memref<!tpu.dma_semaphore, #tpu.memory_space<semaphore_mem>>)
          %dma_wait3A_1402 = arith.constant 0 : i32
          %dma_wait3A_1403 = tpu.memref_slice %arg4[%multiple_of3A, %dma_wait3A_1402] : memref<8192x32xi32, #tpu.memory_space<hbm>> -> memref<16x32xi32, #tpu.memory_space<hbm>>
          %dma_wait3A_1404 = arith.constant 0 : i32
          %dma_wait3A_1405 = tpu.memref_slice %arg4[%multiple_of3A, %dma_wait3A_1404] : memref<8192x32xi32, #tpu.memory_space<hbm>> -> memref<16x32xi32, #tpu.memory_space<hbm>>
          tpu.wait_dma2 semaphore(%run_scoped3A : memref<!tpu.dma_semaphore, #tpu.memory_space<semaphore_mem>>) src(%arg7 : memref<16x32xi32, #tpu.memory_space<vmem>>) dst(%dma_wait3A_1405 : memref<16x32xi32, #tpu.memory_space<hbm>>)
          tpu.yield
        }) : () -> ()
      } else {
      }
      %scan3A_1391 = arith.constant 0 : i32
      scf.yield %scan3A_1391 : i32
    }
    %scan3A_50 = arith.constant 256 : i32
    return
  }
}

module attributes {stable_mosaic.version = 14 : i64} {
  func.func @_tc_kernel(%arg0: i32, %arg1: i32, %arg2: memref<1x512x2048xf32, #tpu.memory_space<vmem>>, %arg3: memref<512x2048xf32, #tpu.memory_space<vmem>>, %arg4: memref<512x512xf32, #tpu.memory_space<vmem>>) attributes {dimension_semantics = [#tpu.dimension_semantics<arbitrary>, #tpu.dimension_semantics<arbitrary>], iteration_bounds = array<i64: 4, 4>, scalar_prefetch = 0 : i64, scratch_operands = 0 : i64, tpu.core_type = #tpu.core_type<tc>, window_params = [{transform_indices = @transform_0, window_bounds = array<i64: 1, 512, 2048>}, {pipeline_mode = #tpu.pipeline_mode<synchronous>, transform_indices = @transform_1, window_bounds = array<i64: 512, 2048>}, {transform_indices = @transform_2, window_bounds = array<i64: 512, 512>}]} {
    %get3A = arith.constant 0 : index
    %get3A_0 = arith.constant 0 : index
    %get3A_1 = arith.constant 0 : index
    %get3A_2 = vector.load %arg2[%get3A, %get3A_0, %get3A_1] : memref<1x512x2048xf32, #tpu.memory_space<vmem>>, vector<1x512x2048xf32>
    %get3A_3 = vector.shape_cast %get3A_2 : vector<1x512x2048xf32> to vector<512x2048xf32>
    %get3A_4 = arith.constant 0 : index
    %get3A_5 = arith.constant 0 : index
    %get3A_6 = vector.load %arg3[%get3A_4, %get3A_5] : memref<512x2048xf32, #tpu.memory_space<vmem>>, vector<512x2048xf32>
    %convert_element_type3A = arith.truncf %get3A_6 : vector<512x2048xf32> to vector<512x2048xbf16>
    %convert_element_type3A_7 = arith.truncf %get3A_3 : vector<512x2048xf32> to vector<512x2048xbf16>
    %dot_general3A = arith.constant dense<0.000000e+00> : vector<512x512xf32>
    %dot_general3A_8 = tpu.matmul %convert_element_type3A, %convert_element_type3A_7, %dot_general3A {dimension_numbers = #tpu.dot_dimension_numbers<[1], [1], [0], [0], [0, 0, 1, 0], [], []>, transpose_lhs_hint = false} : vector<512x2048xbf16>, vector<512x2048xbf16>, vector<512x512xf32> -> vector<512x512xf32>
    %mul3A = arith.constant 0.0220970865 : f32
    %mul3A_9 = vector.broadcast %mul3A : f32 to vector<512x512xf32>
    %mul3A_10 = arith.mulf %dot_general3A_8, %mul3A_9 : vector<512x512xf32>
    %reduce_max3A = arith.constant dense<0xFF800000> : vector<512xf32>
    %reduce_max3A_11 = vector.multi_reduction <maximumf>, %mul3A_10, %reduce_max3A [0] : vector<512x512xf32> to vector<512xf32>
    %broadcast_in_dim3A = vector.shape_cast %reduce_max3A_11 : vector<512xf32> to vector<1x512xf32>
    %sub3A = vector.broadcast %broadcast_in_dim3A : vector<1x512xf32> to vector<512x512xf32>
    %sub3A_12 = arith.subf %mul3A_10, %sub3A : vector<512x512xf32>
    %exp3A = math.exp %sub3A_12 : vector<512x512xf32>
    %reduce_sum3A = arith.constant dense<0.000000e+00> : vector<512xf32>
    %reduce_sum3A_13 = vector.multi_reduction <add>, %exp3A, %reduce_sum3A [0] : vector<512x512xf32> to vector<512xf32>
    %broadcast_in_dim3A_14 = vector.shape_cast %reduce_sum3A_13 : vector<512xf32> to vector<1x512xf32>
    %div3A = vector.broadcast %broadcast_in_dim3A_14 : vector<1x512xf32> to vector<512x512xf32>
    %div3A_15 = arith.divf %exp3A, %div3A : vector<512x512xf32>
    %transpose3A = tpu.transpose %div3A_15, [1, 0] : vector<512x512xf32> -> vector<512x512xf32>
    %swap3A = arith.constant 0 : index
    %swap3A_16 = arith.constant 0 : index
    %swap3A_17 = vector.load %arg4[%swap3A, %swap3A_16] : memref<512x512xf32, #tpu.memory_space<vmem>>, vector<512x512xf32>
    tpu.vector_store %arg4[%swap3A, %swap3A_16], %transpose3A {strides = array<i32>} : memref<512x512xf32, #tpu.memory_space<vmem>>, vector<512x512xf32>,
    return
  }
  func.func @transform_0(%arg0: i32, %arg1: i32) -> (i32, i32, i32) {
    %c0_i32 = arith.constant 0 : i32
    %c0_i32_0 = arith.constant 0 : i32
    return %arg0, %arg1, %c0_i32 : i32, i32, i32
  }
  func.func @transform_1(%arg0: i32, %arg1: i32) -> (i32, i32) {
    %c0_i32 = arith.constant 0 : i32
    %c0_i32_0 = arith.constant 0 : i32
    %c0_i32_1 = arith.constant 0 : i32
    return %c0_i32, %c0_i32_0 : i32, i32
  }
  func.func @transform_2(%arg0: i32, %arg1: i32) -> (i32, i32) {
    %c0_i32 = arith.constant 0 : i32
    return %arg1, %arg0 : i32, i32
  }
}

</mosaic_0001>

<sc_bundles>
// kernel: kernel.4.cloned.1.call-start
scs
__scs_entry_jumppad:
0x0: {  	(pc) =	sbr.rel $0x88, $3  }
0x1: {  	(tag) =	ssettag $0x0;
	lr =	simm.s32 $0x1  }
0x2: {  	[smem:$0x3F9F] =	sst lr;
	_ =	strace $0xD0000000  }
0x3: {  	_ = 	snop  }
0x4: {  	_ = 	snop  }
0x5: {  	_ = 	snop  }
0x6: {  	_ = 	snop  }
0x7: {  	_ = 	snop  }
__scs_overlays_trampoline_lowered:
0x8: {  	[smem:$0x3FAE] =	sst s0  }
0x9: {  	[smem:$0x3FAF] =	sst s1  }
0xa: {  	[smem:$0x3FB0] =	sst s2  }
0xb: {  	[smem:$0x3FB1] =	sst s3  }
0xc: {  	[smem:$0x3FB2] =	sst s4  }
0xd: {  	[smem:$0x3FB3] =	sst s5  }
0xe: {  	[smem:$0x3FB4] =	sst s6  }
0xf: {  	[smem:$0x3FB5] =	sst s7  }
0x10: {  	[smem:$0x3FB6] =	sst s8  }
0x11: {  	[smem:$0x3FB7] =	sst s9;
	s0 =	simm.s32 @!p0 $0x0  }
0x12: {  	s1 =	sld [smem:$0x3F9D];
	s0 =	simm.s32 @p0 $0x1  }
0x13: {  	[smem:$0x3FB8] =	sst s0;
	s0 =	simm.s32 @!p1 $0x0  }
0x14: {  	s2 =	sld [smem:$0x3F9C];
	s0 =	simm.s32 @p1 $0x1  }
0x15: {  	[smem:$0x3FB9] =	sst s0;
	s0 =	simm.s32 @!p2 $0x0  }
0x16: {  	s3 =	sld [smem:$0x3FDB];
	s0 =	simm.s32 @p2 $0x1  }
0x17: {  	s4 =	simm.s32 $0x1BF5;
	[smem:$0x3FBB] =	sst s0  }
0x18: {  	s0 =	sld [smem:$0x3F9E];
	_ =	swait.ge [sflag:s4], $0x0  }
0x19: {  	s7 =	sld [smem:$0x3F9F]  }
0x1a: {  	s8 =	sadd.s32 $0xFFFFE003, lr  }
0x1b: {  	s9 =	sadd.s32 $0xFFFFFEF7, lr;
	s5 =	simm.s32 $0xFFFFFFFF;
	p2 =	slt.u32 s8, $0xFFFFF086  }
0x1c: {  	p1 =	slt.u32 s9, $0xF7A;
	s5 =	simm.s32 @!p2 $0x0  }
0x1d: {  	s5 =	simm.s32 @p1 $0x1;
	p0 =	seq.s32 s7, s2  }
0x1e: {  	s7 =	smul.u32 @!p0 $0xF7A, s2;
	p2 =	seq.s32 @!p0 s5, $0x0  }
0x1f: {  	s9 =	smul.u32 $0xF7A, s1;
	s8 =	simm.s32 @!p0 $0x1BF5;
	p2 =	por !p2, p0  }
0x20: {  	[sflag:s8] =	ssyncset.s32 @!p0 $0xFFFFF086;
	s6 =	sadd.s32 @!p0 s3, s7;
	s7 =	simm.s32 @!p0 $0x108  }
0x21: {  	s3 =	sadd.s32 s3, s9;
	s6 =	sadd.s32 @!p0 $0x88, s6;
	s7 =	simm.s32 @p2 $0x1082  }
0x22: {  	[simem:s7], [sflag:s8] =	dma.local @!p0 [hbm:s6], $0xF7A  }
0x23: {  	s9 =	sor.u32 $0xD0000000, s2;
	s6 =	simm.s32 $0x108;
	_ =	swait.ge @!p0 [sflag:s8], $0x0  }
0x24: {  	s3 =	sadd.s32 $0x88, s3;
	s6 =	simm.s32 @!p1 $0x1082;
	[sflag:s4] =	ssyncset.s32 $0xFFFFF086  }
0x25: {  	[simem:s6], [sflag:s4] =	dma.local [hbm:s3], $0xF7A  }
0x26: {  	[smem:$0x3F9F] =	sst s1;
	(tag) =	ssettag s2;
	_ =	strace s9  }
0x27: {  	s1 =	sld [smem:$0x3FAF]  }
0x28: {  	s2 =	sld [smem:$0x3FB0]  }
0x29: {  	s4 =	sld [smem:$0x3FB2]  }
0x2a: {  	p0 =	seq.s32 s5, $0x0;
	s5 =	sld [smem:$0x3FB3]  }
0x2b: {  	s6 =	sld [smem:$0x3FB4]  }
0x2c: {  	s7 =	sld [smem:$0x3FB5]  }
0x2d: {  	s3 =	simm.s32 $0x108;
	s8 =	sld [smem:$0x3FB6]  }
0x2e: {  	s3 =	simm.s32 @!p0 $0x1082;
	s9 =	sld [smem:$0x3FB7]  }
0x2f: {  	lr =	sadd.s32 s0, s3;
	s0 =	sld [smem:$0x3FAE]  }
0x30: {  	s3 =	sld [smem:$0x3FB1]  }
0x31: {  	[smem:$0x3FBA] =	sst s10  }
0x32: {  	s10 =	sld [smem:$0x3FB8];
	_ =	sdelay $0x3  }
0x33: {  	p0 =	seq.s32 s10, $0x1;
	s10 =	sld [smem:$0x3FBA];
	_ =	sdelay $0x3  }
0x34: {  	[smem:$0x3FBA] =	sst s10  }
0x35: {  	s10 =	sld [smem:$0x3FB9];
	_ =	sdelay $0x3  }
0x36: {  	p1 =	seq.s32 s10, $0x1;
	s10 =	sld [smem:$0x3FBA];
	_ =	sdelay $0x3  }
0x37: {  	[smem:$0x3FBA] =	sst s10  }
0x38: {  	s10 =	sld [smem:$0x3FBB]  }
0x39: {  	_ = 	snop;
	(pc) =	sbr.ind lr, $3  }
0x3a: {  	_ = 	snop  }
0x3b: {  	_ = 	snop  }
0x3c: {  	p2 =	seq.s32 s10, $0x1;
	s10 =	sld [smem:$0x3FBA]  }
0x3d: {  	_ =	shalt  }
0x3e: {  	_ =	shalt  }
0x3f: {  	_ =	shalt  }
0x40: {  	_ =	shalt  }
0x41: {  	_ =	shalt  }
0x42: {  	_ =	shalt  }
0x43: {  	_ =	shalt  }
0x44: {  	_ =	shalt  }
0x45: {  	_ =	shalt  }
0x46: {  	_ =	shalt  }
0x47: {  	_ =	shalt  }
0x48: {  	_ =	shalt  }
0x49: {  	_ =	shalt  }
0x4a: {  	_ =	shalt  }
0x4b: {  	_ =	shalt  }
0x4c: {  	_ =	shalt  }
0x4d: {  	_ =	shalt  }
0x4e: {  	_ =	shalt  }
0x4f: {  	_ =	shalt  }
0x50: {  	_ =	shalt  }
0x51: {  	_ =	shalt  }
0x52: {  	_ =	shalt  }
0x53: {  	_ =	shalt  }
0x54: {  	_ =	shalt  }
0x55: {  	_ =	shalt  }
0x56: {  	_ =	shalt  }
0x57: {  	_ =	shalt  }
0x58: {  	_ =	shalt  }
0x59: {  	_ =	shalt  }
0x5a: {  	_ =	shalt  }
0x5b: {  	_ =	shalt  }
0x5c: {  	_ =	shalt  }
0x5d: {  	_ =	shalt  }
0x5e: {  	_ =	shalt  }
0x5f: {  	_ =	shalt  }
0x60: {  	_ =	shalt  }
0x61: {  	_ =	shalt  }
0x62: {  	_ =	shalt  }
0x63: {  	_ =	shalt  }
0x64: {  	_ =	shalt  }
0x65: {  	_ =	shalt  }
0x66: {  	_ =	shalt  }
0x67: {  	_ =	shalt  }
0x68: {  	_ =	shalt  }
0x69: {  	_ =	shalt  }
0x6a: {  	_ =	shalt  }
0x6b: {  	_ =	shalt  }
0x6c: {  	_ =	shalt  }
0x6d: {  	_ =	shalt  }
0x6e: {  	_ =	shalt  }
0x6f: {  	_ =	shalt  }
0x70: {  	_ =	shalt  }
0x71: {  	_ =	shalt  }
0x72: {  	_ =	shalt  }
0x73: {  	_ =	shalt  }
0x74: {  	_ =	shalt  }
0x75: {  	_ =	shalt  }
0x76: {  	_ =	shalt  }
0x77: {  	_ =	shalt  }
0x78: {  	_ =	shalt  }
0x79: {  	_ =	shalt  }
0x7a: {  	_ =	shalt  }
0x7b: {  	_ =	shalt  }
0x7c: {  	_ =	shalt  }
0x7d: {  	_ =	shalt  }
0x7e: {  	_ =	shalt  }
0x7f: {  	_ =	shalt  }
0x80: {  	_ =	shalt  }
0x81: {  	_ =	shalt  }
0x82: {  	_ =	shalt  }
0x83: {  	_ =	shalt  }
0x84: {  	_ =	shalt  }
0x85: {  	_ =	shalt  }
0x86: {  	_ =	shalt  }
0x87: {  	_ =	shalt  }
.Lfunc_end0:
.L_simem_size_0:
called_computation_lowered:
.L_overlay_start_0:
0x88: {  	s2 =	sld [smem:$0x3FD9]  }
0x89: {  	s3 =	sld [smem:$0x3FFE];
	_ =	sdelay $0x1  }
0x8a: {  	s1 =	srdreg.scid  }
0x8b: {  	s0 =	sand.u32 $0x1, s1  }
0x8c: {  	s16 =	sshll.u32 s0, $0xA;
	s2 =	sadd.s32 s3, s2  }
0x8d: {  	s2 =	sadd.s32 s2, s16  }
0x8e: {  	[smem:$0x3FC6] =	sst s2  }
0x8f: {  	_ = 	snop  }
0x90: {  	(tm) =	ssettm $0x1  }
0x91: {  	s17 =	sld [smem:$0x3FFB];
	_ =	sdelay $0x3  }
0x92: {  	_ =	strace s17  }
0x93: {  	s2 =	sld [smem:$0x3FFC];
	_ =	sdelay $0x3  }
0x94: {  	_ =	strace s2  }
0x95: {  	s2 =	sld [smem:$0x3FFD];
	_ =	sdelay $0x3  }
0x96: {  	_ =	strace s2  }
0x97: {  	_ =	strace $0x8FFFFFFF  }
0x98: {  	s18 =	sld [smem:$0x3FDB];
	_ =	sdelay $0x1  }
0x99: {  	s19 =	simm.s32 $_scs_section_size  }
0x9a: {  	s4 =	simm.s32 $_size__tile_overlayer_lowered;
	s5 =	simm.s32 $_tile_overlayer_lowered  }
0x9b: {  	s22 =	simm.s32 $0x1BFF;
	s21 =	sshll.u32 s5, $0x1;
	s2 =	sadd.s32 s19, s18  }
0x9c: {  	s6 =	simm.s32 $0x0;
	s20 =	sshll.u32 s4, $0x1;
	s4 =	sadd.s32 s21, s2  }
0x9d: {  	[timem:s6], [sflag:s22] =	dma.local [hbm:s4], s20  }
0x9e: {  	_ =	swait.ge [sflag:s22], s20  }
0x9f: {  	s3 =	ssub.s32 $0x0, s20;
	[sflag:s22] =	ssyncset.done $0x0  }
0xa0: {  	[sflag:s22] =	ssyncadd.s32 s3;
	_ =	sdelay $0x1  }
0xa1: {  	s23 =	simm.s32 $0x1B8B  }
0xa2: {  	_ =	swait.ge [sflag:s23], $0x1  }
0xa3: {  	[sflag:s23] =	ssyncset.done $0x0  }
0xa4: {  	s25 =	simm.s32 $0x1B8E;
	s24 =	sld [smem:$0x3FFE];
	[sflag:s23] =	ssyncadd.s32 $0xFFFFFFFF  }
0xa5: {  	s26 =	simm.s32 $execute0_lowered;
	[smem:$0x3FD2] =	sst s25  }
0xa6: {  	s4 =	sshll.u32 s26, $0x1;
	_ =	strace $0x80000046;
	[dreg:$0x1] =	wrdreg $0xFFFFFFFF  }
0xa7: {  	s28 =	simm.s32 $_size_execute0_lowered;
	s2 =	sadd.s32 s2, s4;
	[dreg:$0x0] =	wrdreg $0x0  }
0xa8: {  	s4 =	sshll.u32 s28, $0x1;
	[dreg:$0x2] =	wrdreg s2  }
0xa9: {  	[dreg:$0x3] =	wrdreg s4  }
0xaa: {  	[dreg:$0x4] =	wrdreg $0xC0  }
0xab: {  	_ =	task [dreg:s6], $0x5FFFF  }
0xac: {  	[dreg:$0x1] =	wrdreg $0xFFFFFFFF  }
0xad: {  	[dreg:$0x0] =	wrdreg $0x60  }
0xae: {  	[dreg:$0x2] =	wrdreg s24  }
0xaf: {  	[dreg:$0x3] =	wrdreg $0x9  }
0xb0: {  	_ =	task.clear_ibuf [dreg:s6], $0x4FFFF;
	_ =	strace $0x90000046  }
0xb1: {  	s29 =	simm.s32 $0x9;
	_ =	strace $0x80000048  }
0xb2: {  	_ =	swait.ge [sflag:s29], $0x1  }
0xb3: {  	[sflag:s29] =	ssyncadd.s32 $0xFFFFFFFF  }
0xb4: {  	_ =	strace $0x90000048  }
0xb5: {  	_ =	sfence  }
0xb6: {  	s30 =	sld [smem:$0x0];
	_ =	sdelay $0x2  }
0xb7: {  	s31 =	sshll.u32 s1, $0xD;
	s1 =	sshrl.u32 s1, $0x2  }
0xb8: {  	s3 =	sand.u32 $0x4000, s31;
	s1 =	sadd.s32 s1, s30  }
0xb9: {  	s0 =	sor.u32 s3, s0;
	s1 =	sshll.u32 s1, $0x11  }
0xba: {  	s0 =	sor.u32 s1, s0  }
0xbb: {  	s0 =	sadd.s32 $0x8F2B, s0  }
0xbc: {  	[sflag:s0] =	ssyncadd.remote.s32 $0x1  }
0xbd: {  	_ =	sfence.sel $0xFFFF  }
0xbe: {  	[dreg:$0x0] =	wrdreg $0xFFFFFFFF;
	(pc) =	sbr.abs _section_cstart, $3  }
0xbf: {  	[dreg:$0x1] =	wrdreg $0xFFFFFFFF  }
0xc0: {  	_ =	task.clear_ibuf [dreg:s6], $0x2FFFF;
	_ =	strace $0x9FFFFFFF  }
0xc1: {  	(tm) =	ssettm $0x7FFFFFFF  }
tec
execute0_lowered:
.L_overlay_start_1:
0x0: {  	(tag) =	ssettag $0x1  }
0x1: {  	s4 =	rddreg [dreg:$0x0];
	s1 =	simm.s32 $0x0;
	v3 =	vlaneseq.u32  }
0x2: {  	[smem:$0x7FF] =	sst s1;
	v4 =	vor.u32 $0x10, v3  }
0x3: {  	s0 =	rddreg [dreg:$0x1];
	v9 =	vor.u32 $0x20, v3;
	_ =	strace $0x80000047;
	[tilespmem:$0x1FF60] =	vst v4  }
0x4: {  	s5 =	srdreg.scid;
	s2 =	stileid.u32;
	s14 =	simm.s32 $0x300;
	v10 =	vor.u32 $0x30, v3;
	[tilespmem:$0x1FF70] =	vst v9  }
0x5: {  	s15 =	simm.s32 $0x1;
	s16 =	simm.s32 $0x0;
	s3 =	sadd.s32 $0xA00, s4;
	v11 =	vor.u32 $0x40, v3;
	[tilespmem:$0x1FF80] =	vst v10  }
0x6: {  	s5 =	sand.u32 $0x1, s5;
	s6 =	sshrl.u32 s2, $0x2;
	s7 =	sand.u32 $0x3, s2;
	v12 =	vor.u32 $0x50, v3;
	[tilespmem:$0x1FF90] =	vst v11  }
0x7: {  	s10 =	sshll.u32 s2, $0x1;
	v13 =	vor.u32 $0x60, v3;
	s8 =	sshll.u32 s7, $0xD;
	s9 =	sshll.u32 s6, $0xF;
	[tilespmem:$0x1FFA0] =	vst v12  }
0x8: {  	v0 =	vmul.u32 $0xFFFFFFFF, v3;
	v14 =	vor.u32 $0x70, v3;
	v15 =	vor.u32 $0x80, v3;
	s22 =	sshll.u32 s5, $0xC;
	s10 =	sand.u32 $0x6, s10;
	s23 =	ssub.s32 $0x2, s5;
	[tilespmem:$0x1FFB0] =	vst v13  }
0x9: {  	v55 =	vor.u32 $0x90, v3;
	v16 =	vor.u32 $0xA0, v3;
	v21 =	vor.u32 $0xE0, v3;
	s12 =	sshll.u32 s6, $0x7;
	s28 =	sshll.u32 s7, $0x14;
	s29 =	sshll.u32 s5, $0x13;
	[tilespmem:$0x1FFC0] =	vst v14  }
0xa: {  	v46 =	vor.u32 $0xB0, v3;
	v54 =	vor.u32 $0xC0, v3;
	v33 =	vor.u32 $0xD0, v3;
	[tilespmem:$0x1FFD0] =	vst v21;
	s8 =	sor.u32 s8, s9;
	s10 =	sor.u32 s5, s10;
	s11 =	sshrl.u32 s23, $0x1  }
0xb: {  	v62 =	vor.u32 $0xF0, v3;
	v31 =	vor.u32 $0x100, v3;
	v59 =	vor.u32 $0x110, v3;
	[tilespmem:$0x1FFE0] =	vst v15;
	s30 =	sor.u32 s29, s28;
	s8 =	sor.u32 s8, s22;
	s24 =	sshll.u32 s10, $0x13  }
0xc: {  	v58 =	vor.u32 $0x120, v3;
	[tilespmem:$0x1FFF0] =	vst v16;
	v2 =	vadd.s32 $0xF, v0;
	v0 =	vor.u32 $0x1C0, v3;
	s25 =	ssub.s32 s23, s11;
	s31 =	sor.u32 s12, s30;
	s13 =	sadd.s32 s8, s4  }
0xd: {  	v26 =	vor.u32 $0x130, v3;
	v27 =	vor.u32 $0x140, v3;
	[tilespmem:$0x1FF20] =	vst v0;
	v0 =	vor.u32 $0x1D0, v3;
	s26 =	sor.u32 s12, s24;
	s5 =	smax.u32 s25, $0x1;
	s9 =	sor.u32 $0x800, s31  }
0xe: {  	v28 =	vor.u32 $0x150, v3;
	v29 =	vor.u32 $0x160, v3;
	s12 =	simm.s32 $0x100;
	[tilespmem:$0x1FF30] =	vst v0;
	v0 =	vor.u32 $0x1E0, v3;
	s4 =	sshrl.u32 s26, $0x3;
	s10 =	sadd.s32 $0xA0910, s13  }
0xf: {  	v30 =	vor.u32 $0x170, v3;
	v32 =	vor.u32 $0x180, v3;
	s11 =	sadd.s32 $0x80910, s13;
	s13 =	simm.s32 $0x200;
	[tilespmem:$0x1FF40] =	vst v0;
	v0 =	vor.u32 $0x1F0, v3;
	s4 =	sadd.s32 s3, s4  }
0x10: {  	v34 =	vor.u32 $0x190, v3;
	v37 =	vor.u32 $0x1A0, v3;
	v41 =	vor.u32 $0x1B0, v3;
	[tilespmem:$0x1FF50] =	vst v0;
	s6 =	sadd.s32 $0x40, s4;
	s7 =	sadd.s32 $0x80, s4;
	s8 =	sadd.s32 $0xC0, s4  }
.LBB2_1:
0x11: {  	[tilespmem:s1], [sflag:$0x1] =	stream.linear.gather [hbm4b:s4+s1], $0x80, $0x38;
	[tilespmem:$0x1400] =	vst v63  }
0x12: {  	_ = 	snop  }
0x13: {  	[tilespmem:s12], [sflag:$0x1] =	stream.linear.gather [hbm4b:s6+s1], $0x80, $0x38;
	[tilespmem:$0x1400] =	vst v63  }
0x14: {  	s17 =	simm.s32 $0x80;
	s18 =	smov.u32 s11  }
0x15: {  	[tilespmem:s13], [sflag:$0x1] =	stream.linear.gather [hbm4b:s7+s1], $0x80, $0x38;
	[tilespmem:$0x1400] =	vst v63  }
0x16: {  	s19 =	smov.u32 s10;
	s20 =	smov.u32 s9;
	s21 =	simm.s32 $0x0  }
0x17: {  	[tilespmem:s14], [sflag:$0x1] =	stream.linear.gather [hbm4b:s8+s1], $0x80, $0x38;
	[tilespmem:$0x1400] =	vst v63  }
.LBB2_2:
0x18: {  	_ =	swait.ge [sflag:s15], $0x200;
	p0 =	seq.s32 s17, $0x8000  }
0x19: {  	[sflag:s15] =	ssyncset.done $0x0;
	s22 =	sshrl.u32 @!p0 s20, $0x3;
	s23 =	sand.u32 @!p0 $0x80, s17  }
0x1a: {  	s24 =	simm.s32 @!p0 $0x0;
	[sflag:s15] =	ssyncadd.s32 $0xFFFFFE00;
	s22 =	sadd.s32 @!p0 s3, s22  }
0x1b: {  	[tilespmem:s23], [sflag:$0x1] =	stream.linear.gather @!p0 [hbm4b:s22+s24], $0x80, $0x38;
	[tilespmem:$0x1400] =	vst v63  }
0x1c: {  	s26 =	sor.u32 @!p0 $0x100, s23;
	s25 =	sadd.s32 @!p0 $0x40, s22  }
0x1d: {  	[tilespmem:s26], [sflag:$0x1] =	stream.linear.gather @!p0 [hbm4b:s25+s24], $0x80, $0x38;
	[tilespmem:$0x1400] =	vst v63  }
0x1e: {  	s25 =	sadd.s32 @!p0 $0x80, s22;
	s26 =	sor.u32 @!p0 $0x200, s23  }
0x1f: {  	[tilespmem:s26], [sflag:$0x1] =	stream.linear.gather @!p0 [hbm4b:s25+s24], $0x80, $0x38;
	[tilespmem:$0x1400] =	vst v63  }
0x20: {  	s29 =	sadd.s32 $0xFFFFFF80, s17;
	s22 =	sadd.s32 @!p0 $0xC0, s22;
	s23 =	sor.u32 @!p0 $0x300, s23  }
0x21: {  	[tilespmem:s23], [sflag:$0x1] =	stream.linear.gather @!p0 [hbm4b:s22+s24], $0x80, $0x38;
	[tilespmem:$0x1400] =	vst v63  }
0x22: {  	s22 =	sand.u32 $0x80, s29  }
0x23: {  	v0 =	vld [tilespmem:s22+$0x0]  }
0x24: {  	v1 =	vld [tilespmem:s22+$0x10];
	_ =	sdelay $0x3  }
0x25: {  	(xrf1) =	vsort.dscd.msk.f32 $0xffff, v0, v3  }
0x26: {  	(xrf1) =	vsort.dscd.msk.f32 $0xffff, v1, v4;
	_ =	sdelay $0xc  }
0x27: {  	v0, v1, _ =	vpop (xrf1)  }
0x28: {  	v3, v4, _ =	vpop (xrf1)  }
0x29: {  	v3 =	vperm.xlane v3, v2  }
0x2a: {  	v5 =	vld [tilespmem:s22+$0x20];
	v4 =	vperm.xlane v4, v2  }
0x2b: {  	v6 =	vld [tilespmem:s22+$0x30];
	vm0 =	vge.f32 v0, v3  }
0x2c: {  	v7 =	vsel vm0, v0, v3;
	v8 =	vsel vm0, v1, v4  }
0x2d: {  	v0 =	vsel vm0, v3, v0;
	v1 =	vsel vm0, v4, v1;
	(xrf1) =	vsort.dscd.msk.f32 $0xffff, v7, v8  }
0x2e: {  	(xrf1) =	vsort.dscd.msk.f32 $0xffff, v0, v1  }
0x2f: {  	(xrf1) =	vsort.dscd.msk.f32 $0xffff, v5, v9  }
0x30: {  	(xrf1) =	vsort.dscd.msk.f32 $0xffff, v6, v10;
	_ =	sdelay $0xa  }
0x31: {  	v35, v0, _ =	vpop (xrf1)  }
0x32: {  	[tilespmem:$0x1FE00] =	vst v0;
	v36, v0, _ =	vpop (xrf1)  }
0x33: {  	[tilespmem:$0x1FE10] =	vst v0;
	v0, v1, _ =	vpop (xrf1)  }
0x34: {  	v3, v4, _ =	vpop (xrf1)  }
0x35: {  	v3 =	vperm.xlane v3, v2  }
0x36: {  	v5 =	vld [tilespmem:s22+$0x40];
	v4 =	vperm.xlane v4, v2  }
0x37: {  	v6 =	vld [tilespmem:s22+$0x50];
	vm6 =	vge.f32 v0, v3  }
0x38: {  	v7 =	vsel vm6, v0, v3;
	v8 =	vsel vm6, v1, v4  }
0x39: {  	v0 =	vsel vm6, v3, v0;
	v1 =	vsel vm6, v4, v1;
	(xrf1) =	vsort.dscd.msk.f32 $0xffff, v7, v8  }
0x3a: {  	(xrf1) =	vsort.dscd.msk.f32 $0xffff, v0, v1  }
0x3b: {  	(xrf1) =	vsort.dscd.msk.f32 $0xffff, v5, v11  }
0x3c: {  	(xrf1) =	vsort.dscd.msk.f32 $0xffff, v6, v12;
	_ =	sdelay $0xa  }
0x3d: {  	v43, v0, _ =	vpop (xrf1)  }
0x3e: {  	[tilespmem:$0x1FDF0] =	vst v0;
	v44, v0, _ =	vpop (xrf1)  }
0x3f: {  	[tilespmem:$0x1FDE0] =	vst v0;
	v0, v1, _ =	vpop (xrf1)  }
0x40: {  	v3, v4, _ =	vpop (xrf1)  }
0x41: {  	v3 =	vperm.xlane v3, v2  }
0x42: {  	v5 =	vld [tilespmem:s22+$0x60];
	v4 =	vperm.xlane v4, v2  }
0x43: {  	v6 =	vld [tilespmem:s22+$0x70];
	vm7 =	vge.f32 v0, v3  }
0x44: {  	v7 =	vsel vm7, v0, v3;
	v8 =	vsel vm7, v1, v4  }
0x45: {  	v0 =	vsel vm7, v3, v0;
	v1 =	vsel vm7, v4, v1;
	(xrf1) =	vsort.dscd.msk.f32 $0xffff, v7, v8  }
0x46: {  	(xrf1) =	vsort.dscd.msk.f32 $0xffff, v0, v1  }
0x47: {  	(xrf1) =	vsort.dscd.msk.f32 $0xffff, v5, v13  }
0x48: {  	(xrf1) =	vsort.dscd.msk.f32 $0xffff, v6, v14;
	_ =	sdelay $0xa  }
0x49: {  	v40, v0, _ =	vpop (xrf1)  }
0x4a: {  	[tilespmem:$0x1FE60] =	vst v0;
	v39, v0, _ =	vpop (xrf1)  }
0x4b: {  	[tilespmem:$0x1FE70] =	vst v0;
	v0, v1, _ =	vpop (xrf1)  }
0x4c: {  	v3, v4, _ =	vpop (xrf1)  }
0x4d: {  	v3 =	vperm.xlane v3, v2  }
0x4e: {  	v4 =	vperm.xlane v4, v2  }
0x4f: {  	vm8 =	vge.f32 v0, v3  }
0x50: {  	v5 =	vld [tilespmem:s22+$0x100];
	v7 =	vsel vm8, v0, v3;
	v8 =	vsel vm8, v1, v4  }
0x51: {  	v6 =	vld [tilespmem:s22+$0x110];
	(xrf1) =	vsort.dscd.msk.f32 $0xffff, v7, v8  }
0x52: {  	v0 =	vsel vm8, v3, v0;
	v1 =	vsel vm8, v4, v1  }
0x53: {  	(xrf1) =	vsort.dscd.msk.f32 $0xffff, v0, v1;
	_ =	sdelay $0x1  }
0x54: {  	(xrf1) =	vsort.dscd.msk.f32 $0xffff, v5, v15  }
0x55: {  	(xrf1) =	vsort.dscd.msk.f32 $0xffff, v6, v55;
	_ =	sdelay $0x8  }
0x56: {  	v1, v0, _ =	vpop (xrf1)  }
0x57: {  	[tilespmem:$0x1FE30] =	vst v1  }
0x58: {  	[tilespmem:$0x1FE50] =	vst v0;
	v1, v0, _ =	vpop (xrf1)  }
0x59: {  	[tilespmem:$0x1FE20] =	vst v1  }
0x5a: {  	[tilespmem:$0x1FE40] =	vst v0;
	v0, v1, _ =	vpop (xrf1)  }
0x5b: {  	v3, v4, _ =	vpop (xrf1)  }
0x5c: {  	v3 =	vperm.xlane v3, v2  }
0x5d: {  	v5 =	vld [tilespmem:s22+$0x120];
	v4 =	vperm.xlane v4, v2  }
0x5e: {  	v6 =	vld [tilespmem:s22+$0x130];
	vm9 =	vge.f32 v0, v3  }
0x5f: {  	v7 =	vsel vm9, v0, v3;
	v8 =	vsel vm9, v1, v4  }
0x60: {  	v0 =	vsel vm9, v3, v0;
	v1 =	vsel vm9, v4, v1;
	(xrf1) =	vsort.dscd.msk.f32 $0xffff, v7, v8  }
0x61: {  	(xrf1) =	vsort.dscd.msk.f32 $0xffff, v0, v1  }
0x62: {  	(xrf1) =	vsort.dscd.msk.f32 $0xffff, v5, v16  }
0x63: {  	(xrf1) =	vsort.dscd.msk.f32 $0xffff, v6, v46;
	_ =	sdelay $0xa  }
0x64: {  	v49, v0, _ =	vpop (xrf1)  }
0x65: {  	[tilespmem:$0x1FEC0] =	vst v0;
	v48, v0, _ =	vpop (xrf1)  }
0x66: {  	[tilespmem:$0x1FED0] =	vst v0;
	v0, v1, _ =	vpop (xrf1)  }
0x67: {  	v3, v4, _ =	vpop (xrf1)  }
0x68: {  	v3 =	vperm.xlane v3, v2  }
0x69: {  	v4 =	vperm.xlane v4, v2  }
0x6a: {  	vm10 =	vge.f32 v0, v3  }
0x6b: {  	v5 =	vld [tilespmem:s22+$0x140];
	v7 =	vsel vm10, v0, v3;
	v8 =	vsel vm10, v1, v4  }
0x6c: {  	v6 =	vld [tilespmem:s22+$0x150];
	(xrf1) =	vsort.dscd.msk.f32 $0xffff, v7, v8  }
0x6d: {  	v0 =	vsel vm10, v3, v0;
	v1 =	vsel vm10, v4, v1  }
0x6e: {  	(xrf1) =	vsort.dscd.msk.f32 $0xffff, v0, v1;
	_ =	sdelay $0x1  }
0x6f: {  	(xrf1) =	vsort.dscd.msk.f32 $0xffff, v5, v54  }
0x70: {  	(xrf1) =	vsort.dscd.msk.f32 $0xffff, v6, v33;
	_ =	sdelay $0x8  }
0x71: {  	v1, v0, _ =	vpop (xrf1)  }
0x72: {  	[tilespmem:$0x1FE90] =	vst v1  }
0x73: {  	[tilespmem:$0x1FEB0] =	vst v0;
	v1, v0, _ =	vpop (xrf1)  }
0x74: {  	[tilespmem:$0x1FE80] =	vst v1  }
0x75: {  	[tilespmem:$0x1FEA0] =	vst v0;
	v0, v1, _ =	vpop (xrf1)  }
0x76: {  	v3, v4, _ =	vpop (xrf1)  }
0x77: {  	v3 =	vperm.xlane v3, v2  }
0x78: {  	v5 =	vld [tilespmem:s22+$0x160];
	v4 =	vperm.xlane v4, v2  }
0x79: {  	v6 =	vld [tilespmem:s22+$0x170];
	vm11 =	vge.f32 v0, v3  }
0x7a: {  	v7 =	vsel vm11, v0, v3;
	v8 =	vsel vm11, v1, v4  }
0x7b: {  	v0 =	vsel vm11, v3, v0;
	v1 =	vsel vm11, v4, v1;
	(xrf1) =	vsort.dscd.msk.f32 $0xffff, v7, v8  }
0x7c: {  	(xrf1) =	vsort.dscd.msk.f32 $0xffff, v0, v1  }
0x7d: {  	(xrf1) =	vsort.dscd.msk.f32 $0xffff, v5, v21  }
0x7e: {  	(xrf1) =	vsort.dscd.msk.f32 $0xffff, v6, v62;
	_ =	sdelay $0xa  }
0x7f: {  	v56, v0, _ =	vpop (xrf1)  }
0x80: {  	[tilespmem:$0x1FEE0] =	vst v0;
	v57, v0, _ =	vpop (xrf1)  }
0x81: {  	[tilespmem:$0x1FEF0] =	vst v0;
	v0, v1, _ =	vpop (xrf1)  }
0x82: {  	v3, v4, _ =	vpop (xrf1)  }
0x83: {  	v3 =	vperm.xlane v3, v2  }
0x84: {  	v5 =	vld [tilespmem:s22+$0x200];
	v4 =	vperm.xlane v4, v2  }
0x85: {  	v6 =	vld [tilespmem:s22+$0x210];
	vm12 =	vge.f32 v0, v3  }
0x86: {  	v7 =	vsel vm12, v0, v3;
	v8 =	vsel vm12, v1, v4  }
0x87: {  	v0 =	vsel vm12, v3, v0;
	v1 =	vsel vm12, v4, v1;
	(xrf1) =	vsort.dscd.msk.f32 $0xffff, v7, v8  }
0x88: {  	(xrf1) =	vsort.dscd.msk.f32 $0xffff, v0, v1  }
0x89: {  	(xrf1) =	vsort.dscd.msk.f32 $0xffff, v5, v31  }
0x8a: {  	(xrf1) =	vsort.dscd.msk.f32 $0xffff, v6, v59;
	_ =	sdelay $0xa  }
0x8b: {  	v4, v61, _ =	vpop (xrf1)  }
0x8c: {  	v5, v60, _ =	vpop (xrf1)  }
0x8d: {  	v0, v6, _ =	vpop (xrf1)  }
0x8e: {  	v7, v8, _ =	vpop (xrf1)  }
0x8f: {  	v7 =	vperm.xlane v7, v2  }
0x90: {  	v9 =	vld [tilespmem:s22+$0x220];
	v8 =	vperm.xlane v8, v2  }
0x91: {  	v10 =	vld [tilespmem:s22+$0x230];
	vm13 =	vge.f32 v0, v7  }
0x92: {  	v11 =	vsel vm13, v0, v7;
	v12 =	vsel vm13, v6, v8  }
0x93: {  	v0 =	vsel vm13, v7, v0;
	v6 =	vsel vm13, v8, v6;
	(xrf1) =	vsort.dscd.msk.f32 $0xffff, v11, v12  }
0x94: {  	(xrf1) =	vsort.dscd.msk.f32 $0xffff, v0, v6  }
0x95: {  	(xrf1) =	vsort.dscd.msk.f32 $0xffff, v9, v58  }
0x96: {  	(xrf1) =	vsort.dscd.msk.f32 $0xffff, v10, v26;
	_ =	sdelay $0xa  }
0x97: {  	v23, v0, _ =	vpop (xrf1)  }
0x98: {  	[tilespmem:$0x1FF00] =	vst v0;
	v63, v0, _ =	vpop (xrf1)  }
0x99: {  	v6, v7, _ =	vpop (xrf1)  }
0x9a: {  	v8, v9, _ =	vpop (xrf1)  }
0x9b: {  	v8 =	vperm.xlane v8, v2  }
0x9c: {  	v10 =	vld [tilespmem:s22+$0x240];
	v9 =	vperm.xlane v9, v2  }
0x9d: {  	v11 =	vld [tilespmem:s22+$0x250];
	vm14 =	vge.f32 v6, v8  }
0x9e: {  	v12 =	vsel vm14, v6, v8;
	v13 =	vsel vm14, v7, v9  }
0x9f: {  	v6 =	vsel vm14, v8, v6;
	v7 =	vsel vm14, v9, v7;
	(xrf1) =	vsort.dscd.msk.f32 $0xffff, v12, v13  }
0xa0: {  	(xrf1) =	vsort.dscd.msk.f32 $0xffff, v6, v7  }
0xa1: {  	(xrf1) =	vsort.dscd.msk.f32 $0xffff, v10, v27  }
0xa2: {  	(xrf1) =	vsort.dscd.msk.f32 $0xffff, v11, v28;
	_ =	sdelay $0xa  }
0xa3: {  	v47, v51, _ =	vpop (xrf1)  }
0xa4: {  	v12, v50, _ =	vpop (xrf1)  }
0xa5: {  	v6, v7, _ =	vpop (xrf1)  }
0xa6: {  	v9, v10, _ =	vpop (xrf1)  }
0xa7: {  	v9 =	vperm.xlane v9, v2  }
0xa8: {  	v14 =	vld [tilespmem:s22+$0x260];
	v10 =	vperm.xlane v10, v2  }
0xa9: {  	v15 =	vld [tilespmem:s22+$0x270];
	vm15 =	vge.f32 v6, v9  }
0xaa: {  	v16 =	vsel vm15, v6, v9;
	v17 =	vsel vm15, v7, v10  }
0xab: {  	v6 =	vsel vm15, v9, v6;
	v7 =	vsel vm15, v10, v7;
	(xrf1) =	vsort.dscd.msk.f32 $0xffff, v16, v17  }
0xac: {  	(xrf1) =	vsort.dscd.msk.f32 $0xffff, v6, v7  }
0xad: {  	(xrf1) =	vsort.dscd.msk.f32 $0xffff, v14, v29  }
0xae: {  	(xrf1) =	vsort.dscd.msk.f32 $0xffff, v15, v30;
	_ =	sdelay $0xa  }
0xaf: {  	v10, v52, _ =	vpop (xrf1)  }
0xb0: {  	v9, v53, _ =	vpop (xrf1)  }
0xb1: {  	v14, v15, _ =	vpop (xrf1)  }
0xb2: {  	v16, v17, _ =	vpop (xrf1)  }
0xb3: {  	v16 =	vperm.xlane v16, v2  }
0xb4: {  	v18 =	vld [tilespmem:s22+$0x300];
	v17 =	vperm.xlane v17, v2  }
0xb5: {  	v19 =	vld [tilespmem:s22+$0x310];
	vm4 =	vge.f32 v14, v16  }
0xb6: {  	v20 =	vsel vm4, v14, v16;
	v21 =	vsel vm4, v15, v17  }
0xb7: {  	v14 =	vsel vm4, v16, v14;
	v15 =	vsel vm4, v17, v15;
	(xrf1) =	vsort.dscd.msk.f32 $0xffff, v20, v21  }
0xb8: {  	(xrf1) =	vsort.dscd.msk.f32 $0xffff, v14, v15  }
0xb9: {  	(xrf1) =	vsort.dscd.msk.f32 $0xffff, v18, v32  }
0xba: {  	(xrf1) =	vsort.dscd.msk.f32 $0xffff, v19, v34;
	_ =	sdelay $0xa  }
0xbb: {  	v20, v38, _ =	vpop (xrf1)  }
0xbc: {  	v11, v18, _ =	vpop (xrf1)  }
0xbd: {  	v14, v15, _ =	vpop (xrf1)  }
0xbe: {  	v17, v19, _ =	vpop (xrf1)  }
0xbf: {  	v17 =	vperm.xlane v17, v2  }
0xc0: {  	v21 =	vld [tilespmem:s22+$0x320];
	v19 =	vperm.xlane v19, v2  }
0xc1: {  	v22 =	vld [tilespmem:s22+$0x330];
	vm5 =	vge.f32 v14, v17  }
0xc2: {  	v24 =	vsel vm5, v14, v17;
	v25 =	vsel vm5, v15, v19  }
0xc3: {  	v14 =	vsel vm5, v17, v14;
	v15 =	vsel vm5, v19, v15;
	(xrf1) =	vsort.dscd.msk.f32 $0xffff, v24, v25  }
0xc4: {  	(xrf1) =	vsort.dscd.msk.f32 $0xffff, v14, v15  }
0xc5: {  	(xrf1) =	vsort.dscd.msk.f32 $0xffff, v21, v37  }
0xc6: {  	(xrf1) =	vsort.dscd.msk.f32 $0xffff, v22, v41;
	_ =	sdelay $0xa  }
0xc7: {  	v19, v42, _ =	vpop (xrf1)  }
0xc8: {  	v17, v45, _ =	vpop (xrf1)  }
0xc9: {  	v21, v22, _ =	vpop (xrf1)  }
0xca: {  	v24, v25, _ =	vpop (xrf1)  }
0xcb: {  	[tilespmem:$0x1FF10] =	vst v0;
	v0 =	vld [tilespmem:$0x1FF20];
	v24 =	vperm.xlane v24, v2  }
0xcc: {  	v16 =	vmov v26;
	v26 =	vld [tilespmem:s22+$0x340];
	v25 =	vperm.xlane v25, v2  }
0xcd: {  	vm6 =	vge.f32 v21, v24  }
0xce: {  	v13 =	vmovc v29;
	v14 =	vmov v28;
	v28 =	vsel vm6, v21, v24;
	v29 =	vsel vm6, v22, v25  }
0xcf: {  	v21 =	vsel vm6, v24, v21;
	v22 =	vsel vm6, v25, v22;
	(xrf1) =	vsort.dscd.msk.f32 $0xffff, v28, v29  }
0xd0: {  	v15 =	vmov v27;
	v27 =	vld [tilespmem:s22+$0x350];
	(xrf1) =	vsort.dscd.msk.f32 $0xffff, v21, v22  }
0xd1: {  	(xrf1) =	vsort.dscd.msk.f32 $0xffff, v26, v0;
	v0 =	vld [tilespmem:$0x1FF30];
	_ =	sdelay $0x4  }
0xd2: {  	(xrf1) =	vsort.dscd.msk.f32 $0xffff, v27, v0;
	_ =	sdelay $0xa  }
0xd3: {  	v28, v26, _ =	vpop (xrf1)  }
0xd4: {  	v29, v27, _ =	vpop (xrf1)  }
0xd5: {  	v21, v22, _ =	vpop (xrf1)  }
0xd6: {  	v24, v25, _ =	vpop (xrf1)  }
0xd7: {  	v24 =	vperm.xlane v24, v2  }
0xd8: {  	v25 =	vperm.xlane v25, v2  }
0xd9: {  	vm7 =	vge.f32 v21, v24  }
0xda: {  	v7 =	vmovc v30;
	v6 =	vmov v32;
	v30 =	vld [tilespmem:s22+$0x360];
	v32 =	vsel vm7, v21, v24;
	v0 =	vsel vm7, v22, v25  }
0xdb: {  	(xrf1) =	vsort.dscd.msk.f32 $0xffff, v32, v0;
	v0 =	vld [tilespmem:$0x1FF40];
	_ =	sdelay $0x2  }
0xdc: {  	v21 =	vsel vm7, v24, v21;
	v22 =	vsel vm7, v25, v22  }
0xdd: {  	v8 =	vmov v31;
	v31 =	vld [tilespmem:s22+$0x370];
	(xrf1) =	vsort.dscd.msk.f32 $0xffff, v21, v22  }
0xde: {  	(xrf1) =	vsort.dscd.msk.f32 $0xffff, v30, v0;
	v0 =	vld [tilespmem:$0x1FF50];
	_ =	sdelay $0x4  }
0xdf: {  	(xrf1) =	vsort.dscd.msk.f32 $0xffff, v31, v0;
	_ =	sdelay $0xa  }
0xe0: {  	v25, v21, _ =	vpop (xrf1)  }
0xe1: {  	v24, v22, _ =	vpop (xrf1)  }
0xe2: {  	v0, v30, _ =	vpop (xrf1)  }
0xe3: {  	v31, v32, _ =	vpop (xrf1)  }
0xe4: {  	v31 =	vperm.xlane v31, v2  }
0xe5: {  	v32 =	vperm.xlane v32, v2  }
0xe6: {  	v43 =	vperm.xlane v43, v2;
	v44 =	vperm.xlane v44, v2;
	vm8 =	vge.f32 v0, v31  }
0xe7: {  	v3 =	vmovc v37;
	v1 =	vsel vm8, v0, v31;
	v37 =	vsel vm8, v30, v32;
	v0 =	vsel vm8, v31, v0;
	v31 =	vld [tilespmem:$0x1FDF0]  }
0xe8: {  	vm2 =	vge.f32 v36, v43;
	vm1 =	vge.f32 v35, v44;
	(xrf1) =	vsort.dscd.msk.f32 $0xffff, v1, v37;
	v1 =	vld [tilespmem:$0x1FDE0]  }
0xe9: {  	v30 =	vsel vm8, v32, v30;
	v32 =	vsel vm1, v35, v44;
	v35 =	vsel vm2, v36, v43;
	v43 =	vld [tilespmem:$0x1FE00]  }
0xea: {  	v44 =	vld [tilespmem:$0x1FE10];
	_ =	sdelay $0x2  }
0xeb: {  	v31 =	vperm.xlane v31, v2;
	v1 =	vperm.xlane v1, v2;
	_ =	sdelay $0x1  }
0xec: {  	vm9 =	vge.f32 v32, v35;
	v31 =	vsel vm2, v44, v31;
	v1 =	vsel vm1, v43, v1;
	v43 =	vld [tilespmem:$0x1FE80]  }
0xed: {  	v37 =	vld [tilespmem:$0x1FE60];
	(xrf1) =	vsort.dscd.msk.f32 $0xffff, v0, v30;
	v0 =	vsel vm9, v32, v35;
	v30 =	vsel vm9, v1, v31  }
0xee: {  	v1 =	vsel vm9, v31, v1;
	(xrf1) =	vsort.dscd.msk.f32 $0xffff, v0, v30;
	v0 =	vsel vm9, v35, v32;
	v30 =	vld [tilespmem:$0x1FE20]  }
0xef: {  	(xrf1) =	vsort.dscd.msk.f32 $0xffff, v0, v1;
	v0 =	vld [tilespmem:$0x1FE40]  }
0xf0: {  	v31 =	vld [tilespmem:$0x1FE30]  }
0xf1: {  	v32 =	vperm.xlane v43, v2;
	v43 =	vld [tilespmem:$0x1FE90];
	_ =	sdelay $0x1  }
0xf2: {  	v30 =	vperm.xlane v30, v2  }
0xf3: {  	v0 =	vperm.xlane v0, v2  }
0xf4: {  	v31 =	vperm.xlane v31, v2;
	vm10 =	vge.f32 v40, v30  }
0xf5: {  	v1 =	vld [tilespmem:$0x1FE50];
	v0 =	vsel vm10, v37, v0;
	v37 =	vperm.xlane v43, v2  }
0xf6: {  	vm11 =	vge.f32 v39, v31  }
0xf7: {  	v31 =	vsel vm11, v39, v31;
	v30 =	vsel vm10, v40, v30;
	v40 =	vld [tilespmem:$0x1FE70]  }
0xf8: {  	vm12 =	vge.f32 v30, v31;
	vm14 =	vge.f32 v48, v37  }
0xf9: {  	v44 =	vsel vm12, v30, v31;
	v30 =	vsel vm12, v31, v30;
	v31 =	vsel vm14, v48, v37;
	v37 =	vmovc v3;
	v3 =	vld [tilespmem:$0x1FEA0]  }
0xfa: {  	v1 =	vperm.xlane v1, v2;
	_ =	sdelay $0x1  }
0xfb: {  	v1 =	vsel vm11, v40, v1  }
0xfc: {  	v40 =	vsel vm12, v0, v1  }
0xfd: {  	(xrf1) =	vsort.dscd.msk.f32 $0xffff, v44, v40;
	v44 =	vperm.xlane v3, v2;
	v3 =	vld [tilespmem:$0x1FEB0];
	_ =	sdelay $0x4  }
0xfe: {  	v48 =	vperm.xlane v3, v2;
	v3 =	vld [tilespmem:$0x1FED0];
	_ =	sdelay $0x2  }
0xff: {  	v0 =	vsel vm12, v1, v0  }
0x100: {  	(xrf1) =	vsort.dscd.msk.f32 $0xffff, v30, v0;
	v0 =	vld [tilespmem:$0x1FEC0]  }
0x101: {  	vm13 =	vge.f32 v49, v32;
	v30 =	vsel vm14, v3, v48;
	v3 =	vld [tilespmem:$0x1FEE0]  }
0x102: {  	v1 =	vsel vm13, v49, v32  }
0x103: {  	v5 =	vperm.xlane v5, v2;
	vm15 =	vge.f32 v1, v31  }
0x104: {  	v49 =	vsel vm15, v1, v31;
	v1 =	vsel vm15, v31, v1;
	v31 =	vperm.xlane v60, v2  }
0x105: {  	vm4 =	vge.f32 v56, v5;
	v0 =	vsel vm13, v0, v44  }
0x106: {  	v35 =	vsel vm15, v0, v30;
	v0 =	vsel vm15, v30, v0;
	v30 =	vsel vm4, v3, v31;
	v3 =	vld [tilespmem:$0x1FEF0]  }
0x107: {  	v4 =	vperm.xlane v4, v2;
	_ =	sdelay $0x1  }
0x108: {  	v61 =	vperm.xlane v61, v2;
	vm5 =	vge.f32 v57, v4  }
0x109: {  	v5 =	vsel vm4, v56, v5;
	v4 =	vsel vm5, v57, v4  }
0x10a: {  	vm6 =	vge.f32 v5, v4;
	(xrf1) =	vsort.dscd.msk.f32 $0xffff, v49, v35;
	v31 =	vsel vm5, v3, v61  }
0x10b: {  	(xrf1) =	vsort.dscd.msk.f32 $0xffff, v1, v0;
	v0 =	vsel vm6, v5, v4;
	v1 =	vsel vm6, v30, v31  }
0x10c: {  	(xrf1) =	vsort.dscd.msk.f32 $0xffff, v0, v1;
	v0 =	vsel vm6, v4, v5;
	v4 =	vperm.xlane v12, v2;
	_ =	sdelay $0x1  }
0x10d: {  	vm7 =	vge.f32 v23, v4  }
0x10e: {  	v3 =	vsel vm7, v23, v4;
	v4 =	vld [tilespmem:$0x1FF00];
	_ =	sdelay $0x1  }
0x10f: {  	v1 =	vsel vm6, v31, v30;
	v5 =	vperm.xlane v47, v2  }
0x110: {  	(xrf1) =	vsort.dscd.msk.f32 $0xffff, v0, v1;
	v0 =	vperm.xlane v50, v2  }
0x111: {  	vm8 =	vge.f32 v63, v5  }
0x112: {  	v0 =	vsel vm7, v4, v0;
	v4 =	vsel vm8, v63, v5;
	v5 =	vld [tilespmem:$0x1FF10];
	_ =	sdelay $0x1  }
0x113: {  	v30 =	vmov v7;
	v12 =	vperm.xlane v20, v2;
	v7 =	vperm.xlane v29, v2  }
0x114: {  	v1 =	vperm.xlane v51, v2  }
0x115: {  	vm11 =	vge.f32 v9, v12;
	vm13 =	vge.f32 v19, v7;
	vm9 =	vge.f32 v3, v4  }
0x116: {  	v31 =	vmovc v8;
	v8 =	vsel vm9, v3, v4;
	v1 =	vsel vm8, v5, v1;
	v5 =	vperm.xlane v11, v2  }
0x117: {  	v3 =	vsel vm9, v4, v3;
	v4 =	vsel vm11, v9, v12;
	v11 =	vsel vm9, v0, v1  }
0x118: {  	(xrf1) =	vsort.dscd.msk.f32 $0xffff, v8, v11;
	vm10 =	vge.f32 v10, v5;
	v8 =	vperm.xlane v38, v2  }
0x119: {  	v0 =	vsel vm9, v1, v0;
	v1 =	vsel vm10, v10, v5;
	v5 =	vperm.xlane v18, v2  }
0x11a: {  	(xrf1) =	vsort.dscd.msk.f32 $0xffff, v3, v0;
	vm12 =	vge.f32 v1, v4;
	v3 =	vsel vm11, v53, v8  }
0x11b: {  	v8 =	vperm.xlane v28, v2;
	v0 =	vsel vm10, v52, v5;
	v5 =	vsel vm12, v1, v4  }
0x11c: {  	v32 =	vmovc v6;
	v6 =	vsel vm12, v0, v3;
	v0 =	vsel vm12, v3, v0;
	v3 =	vperm.xlane v27, v2  }
0x11d: {  	v1 =	vsel vm12, v4, v1;
	v4 =	vsel vm13, v19, v7;
	vm14 =	vge.f32 v17, v8  }
0x11e: {  	(xrf1) =	vsort.dscd.msk.f32 $0xffff, v5, v6;
	v5 =	vperm.xlane v26, v2;
	v6 =	vsel vm14, v17, v8  }
0x11f: {  	vm15 =	vge.f32 v4, v6  }
0x120: {  	v7, v8, _ =	vpop (xrf1);
	(xrf1) =	vsort.dscd.msk.f32 $0xffff, v1, v0;
	v0 =	vsel vm13, v42, v3;
	v5 =	vsel vm14, v45, v5  }
0x121: {  	v9 =	vsel vm15, v4, v6;
	v10 =	vsel vm15, v0, v5;
	v1, v3, _ =	vpop (xrf1)  }
0x122: {  	v4 =	vsel vm15, v6, v4;
	v7 =	vperm.xlane v7, v2;
	v1 =	vperm.xlane v1, v2  }
0x123: {  	v29 =	vmovc v13;
	v0 =	vsel vm15, v5, v0;
	v8 =	vperm.xlane v8, v2;
	(xrf1) =	vsort.dscd.msk.f32 $0xffff, v9, v10  }
0x124: {  	v3 =	vperm.xlane v3, v2;
	vm5 =	vge.f32 v24, v7;
	v5, v6, _ =	vpop (xrf1);
	vm4 =	vge.f32 v25, v1  }
0x125: {  	v28 =	vmov v14;
	(xrf1) =	vsort.dscd.msk.f32 $0xffff, v4, v0;
	v7 =	vsel vm5, v24, v7;
	v9, v10, _ =	vpop (xrf1);
	v1 =	vsel vm4, v25, v1  }
0x126: {  	v8 =	vsel vm5, v22, v8;
	v0, v4, _ =	vpop (xrf1);
	v3 =	vsel vm4, v21, v3;
	vm6 =	vge.f32 v1, v7  }
0x127: {  	v12, v13, _ =	vpop (xrf1);
	v0 =	vperm.xlane v0, v2;
	v11 =	vsel vm6, v1, v7;
	v14 =	vsel vm6, v3, v8  }
0x128: {  	v1 =	vsel vm6, v7, v1;
	v3 =	vsel vm6, v8, v3;
	v7 =	vperm.xlane v12, v2  }
0x129: {  	v4 =	vperm.xlane v4, v2;
	(xrf1) =	vsort.dscd.msk.f32 $0xffff, v11, v14;
	vm8 =	vge.f32 v9, v0  }
0x12a: {  	(xrf1) =	vsort.dscd.msk.f32 $0xffff, v1, v3;
	v1 =	vperm.xlane v13, v2;
	vm7 =	vge.f32 v5, v7  }
0x12b: {  	v0 =	vsel vm8, v9, v0;
	v3, v8, _ =	vpop (xrf1);
	v5 =	vsel vm7, v5, v7  }
0x12c: {  	v4 =	vsel vm8, v10, v4;
	v7, v9, _ =	vpop (xrf1);
	vm9 =	vge.f32 v5, v0;
	v1 =	vsel vm7, v6, v1  }
0x12d: {  	v11, v12, _ =	vpop (xrf1);
	v14 =	vsel vm9, v1, v4  }
0x12e: {  	v6 =	vsel vm9, v5, v0;
	v0 =	vsel vm9, v0, v5;
	v1 =	vsel vm9, v4, v1;
	v10, v13, _ =	vpop (xrf1)  }
0x12f: {  	(xrf1) =	vsort.dscd.msk.f32 $0xffff, v6, v14;
	v6 =	vperm.xlane v10, v2;
	v10 =	vperm.xlane v11, v2  }
0x130: {  	v12 =	vperm.xlane v12, v2;
	v4, v5, _ =	vpop (xrf1);
	(xrf1) =	vsort.dscd.msk.f32 $0xffff, v0, v1  }
0x131: {  	v0 =	vperm.xlane v13, v2;
	v11, v14, _ =	vpop (xrf1);
	vm10 =	vge.f32 v3, v6;
	vm11 =	vge.f32 v7, v10  }
0x132: {  	v1, v13, _ =	vpop (xrf1);
	v3 =	vsel vm10, v3, v6;
	v7 =	vsel vm11, v7, v10  }
0x133: {  	v0 =	vsel vm10, v8, v0;
	v9 =	vsel vm11, v9, v12;
	v6, v8, _ =	vpop (xrf1);
	vm12 =	vge.f32 v3, v7  }
0x134: {  	v6 =	vperm.xlane v6, v2;
	v10 =	vsel vm12, v3, v7  }
0x135: {  	v1 =	vperm.xlane v1, v2;
	v3 =	vsel vm12, v7, v3  }
0x136: {  	v12 =	vsel vm12, v0, v9;
	v0 =	vsel vm12, v9, v0;
	v8 =	vperm.xlane v8, v2  }
0x137: {  	(xrf1) =	vsort.dscd.msk.f32 $0xffff, v10, v12;
	vm14 =	vge.f32 v11, v1;
	vm13 =	vge.f32 v4, v6;
	v7, v9, _ =	vpop (xrf1)  }
0x138: {  	v12 =	vperm.xlane v13, v2;
	v1 =	vsel vm14, v11, v1;
	v4 =	vsel vm13, v4, v6;
	v6, v10, _ =	vpop (xrf1)  }
0x139: {  	(xrf1) =	vsort.dscd.msk.f32 $0xffff, v3, v0;
	vm15 =	vge.f32 v4, v1;
	v0, v3, _ =	vpop (xrf1)  }
0x13a: {  	v5 =	vsel vm13, v5, v8;
	v12 =	vsel vm14, v14, v12;
	v13 =	vsel vm15, v4, v1;
	v8, v11, _ =	vpop (xrf1)  }
0x13b: {  	v14 =	vsel vm15, v5, v12;
	v0 =	vperm.xlane v0, v2;
	v8 =	vperm.xlane v8, v2  }
0x13c: {  	v1 =	vsel vm15, v1, v4;
	v4 =	vsel vm15, v12, v5;
	v3 =	vperm.xlane v3, v2  }
0x13d: {  	v5 =	vperm.xlane v11, v2;
	vm5 =	vge.f32 v6, v0;
	vm4 =	vge.f32 v7, v8  }
0x13e: {  	(xrf1) =	vsort.dscd.msk.f32 $0xffff, v13, v14;
	v0 =	vsel vm5, v6, v0;
	v7 =	vsel vm4, v7, v8  }
0x13f: {  	v3 =	vsel vm5, v10, v3;
	v5 =	vsel vm4, v9, v5;
	vm6 =	vge.f32 v7, v0  }
0x140: {  	(xrf1) =	vsort.dscd.msk.f32 $0xffff, v1, v4;
	v1 =	vsel vm6, v7, v0;
	v4 =	vsel vm6, v5, v3  }
0x141: {  	v0 =	vsel vm6, v0, v7;
	v3 =	vsel vm6, v3, v5;
	(xrf1) =	vsort.dscd.msk.f32 $0xffff, v1, v4  }
0x142: {  	(xrf1) =	vsort.dscd.msk.f32 $0xffff, v0, v3;
	_ =	sdelay $0x3  }
0x143: {  	v0, v1, _ =	vpop (xrf1)  }
0x144: {  	v3, v4, _ =	vpop (xrf1)  }
0x145: {  	v5, v6, _ =	vpop (xrf1)  }
0x146: {  	v7, v8, _ =	vpop (xrf1)  }
0x147: {  	v7 =	vperm.xlane v7, v2  }
0x148: {  	v5 =	vperm.xlane v5, v2  }
0x149: {  	v8 =	vperm.xlane v8, v2  }
0x14a: {  	v9, v10, _ =	vpop (xrf1);
	vm8 =	vge.f32 v3, v5;
	vm7 =	vge.f32 v0, v7  }
0x14b: {  	v6 =	vperm.xlane v6, v2;
	v11, v12, _ =	vpop (xrf1);
	v3 =	vsel vm8, v3, v5;
	v0 =	vsel vm7, v0, v7  }
0x14c: {  	vm9 =	vge.f32 v0, v3;
	v5, v7, _ =	vpop (xrf1)  }
0x14d: {  	v4 =	vsel vm8, v4, v6;
	v1 =	vsel vm7, v1, v8;
	v6 =	vsel vm9, v0, v3;
	v8, v13, _ =	vpop (xrf1)  }
0x14e: {  	v14 =	vsel vm9, v1, v4;
	v5 =	vperm.xlane v5, v2;
	v8 =	vperm.xlane v8, v2  }
0x14f: {  	v0 =	vsel vm9, v3, v0;
	(xrf1) =	vsort.dscd.msk.f32 $0xffff, v6, v14;
	v6 =	vperm.xlane v7, v2  }
0x150: {  	v3 =	vperm.xlane v13, v2;
	vm11 =	vge.f32 v11, v5;
	vm10 =	vge.f32 v9, v8  }
0x151: {  	v1 =	vsel vm9, v4, v1;
	v5 =	vsel vm11, v11, v5;
	v4 =	vsel vm10, v9, v8  }
0x152: {  	v6 =	vsel vm11, v12, v6;
	v3 =	vsel vm10, v10, v3;
	vm12 =	vge.f32 v4, v5  }
0x153: {  	(xrf1) =	vsort.dscd.msk.f32 $0xffff, v0, v1;
	v0 =	vsel vm12, v4, v5;
	v1 =	vsel vm12, v3, v6  }
0x154: {  	v4 =	vsel vm12, v5, v4;
	v3 =	vsel vm12, v6, v3;
	(xrf1) =	vsort.dscd.msk.f32 $0xffff, v0, v1  }
0x155: {  	(xrf1) =	vsort.dscd.msk.f32 $0xffff, v4, v3;
	_ =	sdelay $0xa  }
0x156: {  	v0, v1, _ =	vpop (xrf1)  }
0x157: {  	v3, v4, _ =	vpop (xrf1)  }
0x158: {  	v5, v6, _ =	vpop (xrf1)  }
0x159: {  	v7, v8, _ =	vpop (xrf1)  }
0x15a: {  	v5 =	vperm.xlane v5, v2;
	v7 =	vperm.xlane v7, v2  }
0x15b: {  	v6 =	vperm.xlane v6, v2  }
0x15c: {  	v8 =	vperm.xlane v8, v2;
	vm14 =	vge.f32 v3, v5;
	vm13 =	vge.f32 v0, v7  }
0x15d: {  	v3 =	vsel vm14, v3, v5;
	v0 =	vsel vm13, v0, v7  }
0x15e: {  	v4 =	vsel vm14, v4, v6;
	v1 =	vsel vm13, v1, v8;
	vm15 =	vge.f32 v0, v3  }
0x15f: {  	v5 =	vsel vm15, v0, v3;
	v6 =	vsel vm15, v1, v4  }
0x160: {  	(xrf1) =	vsort.dscd.msk.f32 $0xffff, v5, v6  }
0x161: {  	v0 =	vsel vm15, v3, v0;
	v1 =	vsel vm15, v4, v1  }
0x162: {  	(xrf1) =	vsort.dscd.msk.f32 $0xffff, v0, v1;
	_ =	sdelay $0x9  }
0x163: {  	v27 =	vmov v15;
	v15 =	vld [tilespmem:$0x1FFE0]  }
0x164: {  	s30 =	sand.u32 $0xF, s21;
	v26 =	vmov v16;
	v16 =	vld [tilespmem:$0x1FFF0]  }
0x165: {  	s31 =	sshll.u32 s30, $0x7;
	v21 =	vld [tilespmem:$0x1FFD0];
	v0, v1, _ =	vpop (xrf1)  }
0x166: {  	v14 =	vld [tilespmem:$0x1FFC0];
	[tilespmem:s31+$0x400] =	vst v0  }
0x167: {  	v13 =	vld [tilespmem:$0x1FFB0];
	v0, v3, _ =	vpop (xrf1);
	[tilespmem:s31+$0xC00] =	vst v1  }
0x168: {  	p0 =	sne.s32 s30, $0xF;
	v11 =	vld [tilespmem:$0x1FF90];
	[tilespmem:s31+$0x410] =	vst v0  }
0x169: {  	s23 =	simm.s32 @!p0 $0x400;
	s22 =	simm.s32 @!p0 $0x0;
	v12 =	vld [tilespmem:$0x1FFA0];
	[tilespmem:s31+$0xC10] =	vst v3  }
0x16a: {  	v9 =	vld [tilespmem:$0x1FF70];
	[hbm4b:s18+s22] =	stream.linear.scatter @!p0 [tilespmem:s23], [sflag:$0x3], $0x800, $0x38  }
0x16b: {  	v10 =	vld [tilespmem:$0x1FF80];
	s23 =	simm.s32 @!p0 $0x3  }
0x16c: {  	v4 =	vld [tilespmem:$0x1FF60];
	_ =	swait.ge @!p0 [sflag:s23], $0x800  }
0x16d: {  	[sflag:s23] =	ssyncset.done @!p0 $0x0  }
0x16e: {  	[sflag:s23] =	ssyncadd.s32 @!p0 $0xFFFFF800;
	s23 =	simm.s32 @!p0 $0xC00  }
0x16f: {  	[hbm4b:s19+s22] =	stream.linear.scatter @!p0 [tilespmem:s23], [sflag:$0x2], $0x800, $0x38;
	[tilespmem:$0x1400] =	vst v63  }
0x170: {  	s22 =	simm.s32 @!p0 $0x2  }
0x171: {  	_ =	swait.ge @!p0 [sflag:s22], $0x800  }
0x172: {  	s17 =	sadd.s32 $0x80, s17;
	[sflag:s22] =	ssyncset.done @!p0 $0x0  }
0x173: {  	[sflag:s22] =	ssyncadd.s32 @!p0 $0xFFFFF800;
	p0 =	sne.s32 s17, $0x8080  }
.Ltmp0:
0x174: {  	_ = 	snop;
	(pc) =	sbr.rel @p0 .LBB2_2-.Ltmp0, $3  }
0x175: {  	_ =	sdelay $0x1  }
0x176: {  	s21 =	sadd.s32 $0x1, s21  }
0x177: {  	s20 =	sadd.s32 $0x800, s20;
	v3 =	vlaneseq.u32;
	s18 =	sadd.s32 $0x10, s18;
	s19 =	sadd.s32 $0x10, s19  }
0x178: {  	s16 =	sadd.s32 $0x1, s16  }
0x179: {  	p0 =	sne.s32 s16, s5  }
.Ltmp1:
0x17a: {  	_ = 	snop;
	(pc) =	sbr.rel @p0 .LBB2_1-.Ltmp1, $1  }
0x17b: {  	_ =	sdelay $0x3  }
0x17c: {  	_ =	sfence.sel $0x180000  }
0x17d: {  	[bflag:$0x0] =	sbarrier.arrive $0xFFFF  }
0x17e: {  	p0 =	sne.s32 s2, $0x0;
	_ =	strace $0x90000047  }
0x17f: {  	s0 =	sadd.s32 @!p0 $0x100000, s0;
	[bflag:$0x2] =	sbarrier.arrive $0xFFFF  }
0x180: {  	[sflag:s0] =	ssyncadd.tile.s32 @!p0 $0x1;
	_ =	shalt  }
.Lfunc_end2:
_tile_overlayer_lowered:
.L_overlay_start_2:
0x181: {  	(tag) =	ssettag $0x2  }
0x182: {  	s0 =	rddreg [dreg:$0x0];
	s2 =	stileid.u32  }
0x183: {  	s1 =	rddreg [dreg:$0x1];
	p0 =	sne.s32 s2, $0x0  }
0x184: {  	s3 =	rddreg [dreg:$0x2];
	[bflag:$0x3] =	sbarrier.arrive $0xFFFF;
	s2 =	simm.s32 @!p0 $0x1C02  }
0x185: {  	[timem:s3], [sflag:s2] =	dma.local @!p0 [hbm:s0], s1  }
0x186: {  	s0 =	simm.s32 @!p0 $0x2  }
0x187: {  	_ =	swait.ge @!p0 [sflag:s0], s1  }
0x188: {  	s1 =	ssub.s32 @!p0 $0x0, s1;
	[sflag:s0] =	ssyncset.done @!p0 $0x0  }
0x189: {  	[sflag:s0] =	ssyncadd.s32 @!p0 s1  }
0x18a: {  	[bflag:$0x3] =	sbarrier.arrive $0xFFFF  }
0x18b: {  	_ =	shalt  }

</sc_bundles>
